<compile_context>
chip_gen: v7x
topology: tpu7x:2x2x1
jax: 0.10.2.dev20260603
libtpu: 0.0.44.dev20260713+nightly
codegen_flags: <defaults>
</compile_context>

<pallas_src>
import functools

import jax
import jax.numpy as jnp
from jax import lax
from jax.experimental import pallas as pl
from jax.experimental.pallas import tpu as pltpu
from jax.experimental.pallas import tpu_sc as plsc

B, N, NG, K = 4, 8192, 256, 32
M = B * NG
S = M * K
_INTERP = False

NW = 32
RPW = M // NW


def _score_kernel(cen_ref, xt_ref, s_ref):
    c = cen_ref[0]
    x = xt_ref[0]
    xn = jnp.sum(x * x, axis=0, keepdims=True)
    s_ref[0] = xn - 2.0 * jnp.dot(
        c, x, preferred_element_type=jnp.float32,
        precision=jax.lax.Precision.HIGHEST)


def _sc_knn(s_hbm, xt_hbm, nb_hbm, row0_v, row1_v, xpl_v, cval_v, cidx_v,
            oidx_v, outb_v, sem0, sem1):
    cid = lax.axis_index("c")
    sid = lax.axis_index("s")
    wid = sid * 2 + cid
    base = wid * RPW
    b = base // NG
    pltpu.sync_copy(xt_hbm.at[b], xpl_v)
    iota = lax.iota(jnp.int32, 16)
    inf = jnp.full((16,), jnp.inf, jnp.float32)
    bigc = jnp.full((16,), jnp.int32(2**30), jnp.int32)
    last = base + RPW - 1

    def process_row(t, row_v):
        @plsc.parallel_loop(0, N // 64, carry=(inf, inf), unroll=8)
        def tmin(i, mm):
            m1, m2 = mm
            a = row_v[pl.ds(64 * i, 16)]
            bb = row_v[pl.ds(64 * i + 16, 16)]
            c = row_v[pl.ds(64 * i + 32, 16)]
            d = row_v[pl.ds(64 * i + 48, 16)]
            return (jnp.minimum(m1, jnp.minimum(a, c)),
                    jnp.minimum(m2, jnp.minimum(bb, d)))

        m1, m2 = tmin
        thr = jnp.max(jnp.maximum(m1, m2))

        @plsc.parallel_loop(0, N // 16, carry=jnp.zeros((16,), jnp.int32),
                            unroll=8)
        def comp(i, cnt):
            v = row_v[pl.ds(16 * i, 16)]
            msk = v <= thr
            mi = msk.astype(jnp.int32)
            excl = plsc.cumsum(mi) - mi
            dst = cnt + excl
            plsc.store_scatter(cval_v, [dst], v, mask=msk)
            plsc.store_scatter(cidx_v, [dst], iota + 16 * i, mask=msk)
            return cnt + plsc.all_reduce_population_count(msk)

        cnt = jnp.max(comp)
        nch = (cnt + 15) // 16

        def extract(k, carry):
            def scan(ci, st):
                rv, rc = st
                pos = iota + 16 * ci
                v = jnp.where(pos < cnt, cval_v[pl.ds(16 * ci, 16)],
                              jnp.inf)
                vi = cidx_v[pl.ds(16 * ci, 16)]
                combo = vi * 16384 + pos
                cond = v < rv
                return (jnp.where(cond, v, rv),
                        jnp.where(cond, combo, rc))

            rv, rc = lax.fori_loop(0, nch, scan, (inf, bigc))
            gm = jnp.min(rv)
            cmb = jnp.min(jnp.where(rv == gm, rc, bigc))
            sel = jnp.right_shift(cmb, 14)
            p = jnp.bitwise_and(cmb, 16383)
            lane0 = iota == 0
            plsc.store_scatter(cval_v, [jnp.full((16,), p, jnp.int32)], inf,
                               mask=lane0)
            plsc.store_scatter(oidx_v, [jnp.full((16,), k, jnp.int32)],
                               jnp.full((16,), sel, jnp.int32), mask=lane0)
            return carry

        lax.fori_loop(0, K, extract, 0)

        tsplat = jnp.full((16,), t, jnp.int32)
        for h in range(2):
            idxv = oidx_v[pl.ds(16 * h, 16)]
            for k3 in range(3):
                coords = plsc.load_gather(
                    xpl_v, [jnp.full((16,), k3, jnp.int32), idxv])
                plsc.store_scatter(outb_v,
                                   [tsplat, iota * 3 + (k3 + 48 * h)],
                                   coords)

    pltpu.async_copy(s_hbm.at[base], row0_v, sem0)

    def pair_body(i, carry):
        r0 = base + 2 * i
        pltpu.make_async_copy(s_hbm.at[r0], row0_v, sem0).wait()
        pltpu.async_copy(s_hbm.at[jnp.minimum(r0 + 1, last)], row1_v, sem1)
        process_row(2 * i, row0_v)
        pltpu.make_async_copy(s_hbm.at[r0], row1_v, sem1).wait()
        pltpu.async_copy(s_hbm.at[jnp.minimum(r0 + 2, last)], row0_v, sem0)
        process_row(2 * i + 1, row1_v)
        return carry

    lax.fori_loop(0, RPW // 2, pair_body, 0)
    pltpu.make_async_copy(s_hbm.at[base], row0_v, sem0).wait()
    pltpu.sync_copy(outb_v, nb_hbm.at[pl.ds(base, RPW)])


def _knn(xyz):
    center = xyz[:, :NG, :]
    xt = xyz.transpose(0, 2, 1)
    s = pl.pallas_call(
        _score_kernel,
        grid=(B,),
        in_specs=[
            pl.BlockSpec((1, NG, 3), lambda i: (i, 0, 0)),
            pl.BlockSpec((1, 3, N), lambda i: (i, 0, 0)),
        ],
        out_specs=pl.BlockSpec((1, NG, N), lambda i: (i, 0, 0)),
        out_shape=jax.ShapeDtypeStruct((B, NG, N), jnp.float32),
        interpret=_INTERP,
    )(center, xt).reshape(M, N)

    knn = pl.kernel(
        _sc_knn,
        out_type=jax.ShapeDtypeStruct((M, 3 * K), jnp.float32),
        mesh=plsc.VectorSubcoreMesh(core_axis_name="c", subcore_axis_name="s"),
        compiler_params=pltpu.CompilerParams(needs_layout_passes=False),
        scratch_types=[
            pltpu.VMEM((N,), jnp.float32),
            pltpu.VMEM((N,), jnp.float32),
            pltpu.VMEM((3, N), jnp.float32),
            pltpu.VMEM((N + 16,), jnp.float32),
            pltpu.VMEM((N + 16,), jnp.int32),
            pltpu.VMEM((K,), jnp.int32),
            pltpu.VMEM((RPW, 3 * K), jnp.float32),
            pltpu.SemaphoreType.DMA,
            pltpu.SemaphoreType.DMA,
        ],
    )
    nb = knn(s, xt)
    nbf = nb.reshape(S, 3)
    cenf = jnp.broadcast_to(center[:, :, None, :], (B, NG, K, 3)).reshape(S, 3)
    return center, nbf, cenf


def _pass_a(nb_ref, cen_ref, w_ref, b_ref, feat_ref, acc_ref):
    nb = nb_ref[...]
    cen = cen_ref[...]
    rel = cen - nb
    rd = jnp.sqrt(jnp.sum(rel * rel, axis=1, keepdims=True) + 1e-12)
    z = jnp.zeros((nb.shape[0], 6), jnp.float32)
    feat = jnp.concatenate([rd, rel, cen, nb, z], axis=1)
    feat_ref[...] = feat
    h1 = jnp.dot(feat, w_ref[...], preferred_element_type=jnp.float32, precision=None) + b_ref[...]
    s = jnp.sum(h1, axis=0, keepdims=True)
    ss = jnp.sum(h1 * h1, axis=0, keepdims=True)

    @pl.when(pl.program_id(0) == 0)
    def _():
        acc_ref[...] = jnp.zeros_like(acc_ref)

    acc_ref[...] += jnp.concatenate([s, ss], axis=0)


def _pass_b(f_ref, w1_ref, b1_ref, w2_ref, b2_ref, sw_ref, sb_ref,
            mw_ref, mb_ref, w3_ref, b3_ref, h3_ref, acc_ref, *, bm):
    f = f_ref[...]
    h1 = jnp.maximum(
        jnp.dot(f, w1_ref[...], preferred_element_type=jnp.float32, precision=None) + b1_ref[...], 0.0)
    h2 = jnp.dot(h1, w2_ref[...], preferred_element_type=jnp.float32, precision=None) + b2_ref[...]
    logits = jnp.dot(h2, sw_ref[...], preferred_element_type=jnp.float32, precision=None) + sb_ref[...]
    l3 = logits.reshape(bm, K, 1)
    mx = jnp.max(l3, axis=1, keepdims=True)
    e = jnp.exp(l3 - mx)
    sm = e / jnp.sum(e, axis=1, keepdims=True)
    x3 = h2.reshape(bm, K, 256)
    pooled = jnp.sum(sm * x3, axis=1)
    fg = jnp.dot(pooled, mw_ref[...], preferred_element_type=jnp.float32, precision=None) + mb_ref[...]
    fgr = jnp.broadcast_to(fg[:, None, :], (bm, K, 256)).reshape(bm * K, 256)
    hcat = jnp.concatenate([fgr, h2], axis=1)
    h3 = jnp.dot(hcat, w3_ref[...], preferred_element_type=jnp.float32, precision=None) + b3_ref[...]
    h3_ref[...] = h3
    s = jnp.sum(h3, axis=0, keepdims=True)
    ss = jnp.sum(h3 * h3, axis=0, keepdims=True)

    @pl.when(pl.program_id(0) == 0)
    def _():
        acc_ref[...] = jnp.zeros_like(acc_ref)

    acc_ref[...] += jnp.concatenate([s, ss], axis=0)


def _pass_c(h3_ref, sc_ref, sh_ref, w4_ref, b4_ref, sw_ref, sb_ref,
            mw_ref, mb_ref, out_ref, *, bm):
    h = jnp.maximum(h3_ref[...] * sc_ref[...] + sh_ref[...], 0.0)
    h4 = jnp.dot(h, w4_ref[...], preferred_element_type=jnp.float32, precision=None) + b4_ref[...]
    logits = jnp.dot(h4, sw_ref[...], preferred_element_type=jnp.float32, precision=None) + sb_ref[...]
    l3 = logits.reshape(bm, K, 1)
    mx = jnp.max(l3, axis=1, keepdims=True)
    e = jnp.exp(l3 - mx)
    sm = e / jnp.sum(e, axis=1, keepdims=True)
    x3 = h4.reshape(bm, K, 512)
    pooled = jnp.sum(sm * x3, axis=1)
    out_ref[...] = jnp.dot(pooled, mw_ref[...],
                           preferred_element_type=jnp.float32, precision=None) + mb_ref[...]


def _full(shape):
    return pl.BlockSpec(shape, lambda i: tuple(0 for _ in shape))


def _encoder(nbf, cenf, W1, b1, g1, be1, W2, b2, W3, b3, g2, be2, W4, b4,
             p1sW, p1sb, p1mW, p1mb, p2sW, p2sb, p2mW, p2mb):
    W1t = jnp.pad(W1, ((0, 0), (0, 6))).T
    b1r = b1[None, :]

    bk_a = S // 4
    feat, acc1 = pl.pallas_call(
        _pass_a,
        grid=(4,),
        in_specs=[
            pl.BlockSpec((bk_a, 3), lambda i: (i, 0)),
            pl.BlockSpec((bk_a, 3), lambda i: (i, 0)),
            _full((16, 128)),
            _full((1, 128)),
        ],
        out_specs=[
            pl.BlockSpec((bk_a, 16), lambda i: (i, 0)),
            _full((2, 128)),
        ],
        out_shape=[
            jax.ShapeDtypeStruct((S, 16), jnp.float32),
            jax.ShapeDtypeStruct((2, 128), jnp.float32),
        ],
        interpret=_INTERP,
    )(nbf, cenf, W1t, b1r)

    n = jnp.float32(S)
    mean1 = acc1[0] / n
    var1 = acc1[1] / n - mean1 * mean1
    scale1 = g1 / jnp.sqrt(var1 + 1e-5)
    shift1 = be1 - mean1 * scale1
    W1f = W1t * scale1[None, :]
    b1f = (b1 * scale1 + shift1)[None, :]

    bm_b = 64
    bk_b = bm_b * K
    h3, acc2 = pl.pallas_call(
        functools.partial(_pass_b, bm=bm_b),
        grid=(M // bm_b,),
        in_specs=[
            pl.BlockSpec((bk_b, 16), lambda i: (i, 0)),
            _full((16, 128)), _full((1, 128)),
            _full((128, 256)), _full((1, 256)),
            _full((256, 1)), _full((1, 1)),
            _full((256, 256)), _full((1, 256)),
            _full((512, 512)), _full((1, 512)),
        ],
        out_specs=[
            pl.BlockSpec((bk_b, 512), lambda i: (i, 0)),
            _full((2, 512)),
        ],
        out_shape=[
            jax.ShapeDtypeStruct((S, 512), jnp.float32),
            jax.ShapeDtypeStruct((2, 512), jnp.float32),
        ],
        interpret=_INTERP,
    )(feat, W1f, b1f, W2.T, b2[None, :], p1sW.T, p1sb[None, :],
      p1mW.T, p1mb[None, :], W3.T, b3[None, :])

    mean2 = acc2[0] / n
    var2 = acc2[1] / n - mean2 * mean2
    scale2 = (g2 / jnp.sqrt(var2 + 1e-5))[None, :]
    shift2 = (be2 - acc2[0] / n * scale2[0])[None, :]

    bm_c = 64
    bk_c = bm_c * K
    out = pl.pallas_call(
        functools.partial(_pass_c, bm=bm_c),
        grid=(M // bm_c,),
        in_specs=[
            pl.BlockSpec((bk_c, 512), lambda i: (i, 0)),
            _full((1, 512)), _full((1, 512)),
            _full((512, 512)), _full((1, 512)),
            _full((512, 1)), _full((1, 1)),
            _full((512, 512)), _full((1, 512)),
        ],
        out_specs=pl.BlockSpec((bm_c, 512), lambda i: (i, 0)),
        out_shape=jax.ShapeDtypeStruct((M, 512), jnp.float32),
        interpret=_INTERP,
    )(h3, scale2, shift2, W4.T, b4[None, :], p2sW.T, p2sb[None, :],
      p2mW.T, p2mb[None, :])
    return out


def kernel(xyz, n_group, W1, b1, g1, be1, W2, b2, W3, b3, g2, be2, W4, b4,
           p1sW, p1sb, p1mW, p1mb, p2sW, p2sb, p2mW, p2mb):
    center, nbf, cenf = _knn(xyz)
    out = _encoder(nbf, cenf, W1, b1, g1, be1, W2, b2, W3, b3, g2, be2,
                   W4, b4, p1sW, p1sb, p1mW, p1mb, p2sW, p2sb, p2mW, p2mb)
    return (center, out.reshape(B, NG, 512))

# --- scband reference (transcript-rebuilt; emitter-appended) ---
"""Pipeline reference for scband-simple-encoder-33543694582512 (READ-ONLY COPY).

The authoritative reference and input builder live on the scoring server;
editing this copy changes nothing except your own understanding.
"""

import jax, jax.numpy as jnp
import numpy as np

K_GROUP = 32
EMBED = 512
N_GROUP = 256

def _bn(x, gamma, beta, eps=1e-5):
    mean = jnp.mean(x, axis=(0, 2), keepdims=True)
    var = jnp.var(x, axis=(0, 2), keepdims=True)
    return gamma[None, :, None] * (x - mean) / jnp.sqrt(var + eps) + beta[None, :, None]

def _conv1x1(x, W, b):
    return jnp.einsum('mcl,oc->mol', x, W) + b[None, :, None]

def _attn_pool(x, sW, sb, mW, mb):
    s = x @ sW.T + sb
    s = jax.nn.softmax(s, axis=1)
    pooled = jnp.sum(s * x, axis=1)
    return pooled @ mW.T + mb

def setup_inputs(seed: int = 0):
    key = jax.random.key(seed)
    ks = jax.random.split(key, 16)
    B, N = 4, 8192
    def w(k, shape):
        return jax.random.normal(k, shape, dtype=jnp.float32) * 0.02
    inp = {
        'xyz': jax.random.normal(ks[0], (B, N, 3), dtype=jnp.float32),
        'n_group': 256,
        'W1': w(ks[1], (128, 10)), 'b1': jnp.zeros((128,), jnp.float32),
        'g1': jnp.ones((128,), jnp.float32), 'be1': jnp.zeros((128,), jnp.float32),
        'W2': w(ks[2], (256, 128)), 'b2': jnp.zeros((256,), jnp.float32),
        'W3': w(ks[3], (512, 512)), 'b3': jnp.zeros((512,), jnp.float32),
        'g2': jnp.ones((512,), jnp.float32), 'be2': jnp.zeros((512,), jnp.float32),
        'W4': w(ks[4], (EMBED, 512)), 'b4': jnp.zeros((EMBED,), jnp.float32),
        'p1sW': w(ks[5], (1, 256)), 'p1sb': jnp.zeros((1,), jnp.float32),
        'p1mW': w(ks[6], (256, 256)), 'p1mb': jnp.zeros((256,), jnp.float32),
        'p2sW': w(ks[7], (1, 512)), 'p2sb': jnp.zeros((1,), jnp.float32),
        'p2mW': w(ks[8], (512, 512)), 'p2mb': jnp.zeros((512,), jnp.float32),
    }
    return inp

def reference(xyz, n_group, W1, b1, g1, be1, W2, b2, W3, b3, g2, be2, W4, b4, p1sW, p1sb, p1mW, p1mb, p2sW, p2sb, p2mW, p2mb):
    if isinstance(n_group, list):
        n_group = n_group[-1]
    B, N, _ = xyz.shape
    # misc.random_sample replaced by deterministic first-n_group selection
    start = jnp.asarray(n_group, jnp.int32) * 0
    center = jax.lax.dynamic_slice_in_dim(xyz, start, N_GROUP, axis=1)
    # knn_point: brute force squared distances + top-k
    dist = jnp.sum((center[:, :, None, :] - xyz[:, None, :, :]) ** 2, axis=-1)
    _, idx = jax.lax.top_k(-dist, K_GROUP)
    idx = idx + jnp.arange(B)[:, None, None] * N
    nb = xyz.reshape(B * N, 3)[idx.reshape(-1)].reshape(B, N_GROUP, K_GROUP, 3)
    tile = jnp.broadcast_to(center[:, :, None, :], nb.shape)
    rel = tile - nb
    rd = jnp.sqrt(jnp.sum(rel * rel, axis=-1, keepdims=True) + 1e-12)
    feat = jnp.concatenate([rd, rel, tile, nb], axis=-1)
    M = B * N_GROUP
    x = feat.reshape(M, K_GROUP, 10).transpose(0, 2, 1)
    h = _conv1x1(x, W1, b1)
    h = _bn(h, g1, be1)
    h = jax.nn.relu(h)
    h = _conv1x1(h, W2, b2)
    fg = _attn_pool(h.transpose(0, 2, 1), p1sW, p1sb, p1mW, p1mb)
    fg = jnp.broadcast_to(fg[:, :, None], (M, 256, K_GROUP))
    h = jnp.concatenate([fg, h], axis=1)
    h = _conv1x1(h, W3, b3)
    h = _bn(h, g2, be2)
    h = jax.nn.relu(h)
    h = _conv1x1(h, W4, b4)
    out = _attn_pool(h.transpose(0, 2, 1), p2sW, p2sb, p2mW, p2mb)
    features = out.reshape(B, N_GROUP, EMBED)
    return (center, features)

if __name__ == "__main__":
    import jax
    _d = setup_inputs()
    print(jax.jit(kernel)(*tuple(_d.values())))

</pallas_src>

<mosaic_0001>
#map = affine_map<(d0, d1) -> (0, 0)>
#map1 = affine_map<(d0, d1) -> (0, 0, 0)>
module attributes {stable_mosaic.version = 14 : i64} {
  func.func @_sc_knn(%arg0: i32, %arg1: i32, %arg2: memref<1024x8192xf32, #tpu.memory_space<hbm>>, %arg3: memref<4x3x8192xf32, #tpu.memory_space<hbm>>, %arg4: memref<1024x96xf32, #tpu.memory_space<hbm>>, %arg5: memref<8192xf32, #tpu.memory_space<vmem>>, %arg6: memref<8192xf32, #tpu.memory_space<vmem>>, %arg7: memref<3x8192xf32, #tpu.memory_space<vmem>>, %arg8: memref<8208xf32, #tpu.memory_space<vmem>>, %arg9: memref<8208xi32, #tpu.memory_space<vmem>>, %arg10: memref<32xi32, #tpu.memory_space<vmem>>, %arg11: memref<32x96xf32, #tpu.memory_space<vmem>>, %arg12: memref<!tpu.dma_semaphore, #tpu.memory_space<semaphore_mem>>, %arg13: memref<!tpu.dma_semaphore, #tpu.memory_space<semaphore_mem>>) attributes {dimension_semantics = [#tpu.dimension_semantics<core_parallel>, #tpu.dimension_semantics<subcore_parallel>], iteration_bounds = array<i64: 2, 16>, scalar_prefetch = 0 : i64, scratch_operands = 9 : i64, tpu.core_type = #tpu.core_type<sc_vector_subcore>, window_params = [{transform_indices = #map}, {transform_indices = #map1}, {transform_indices = #map}]} {
    %mul3A = arith.constant 2 : i32
    %mul3A_0 = arith.muli %arg1, %mul3A : i32
    %add3A = arith.addi %mul3A_0, %arg0 : i32
    %mul3A_1 = arith.constant 32 : i32
    %mul3A_2 = arith.muli %add3A, %mul3A_1 : i32
    %jit3A = arith.constant 256 : i32
    %div3A = arith.divsi %mul3A_2, %jit3A : i32
    %sign3A = arith.constant 0 : i32
    %sign3A_3 = arith.cmpi sgt, %mul3A_2, %sign3A : i32
    %sign3A_4 = arith.extui %sign3A_3 : i1 to i32
    %sign3A_5 = arith.constant 0 : i32
    %sign3A_6 = arith.cmpi slt, %mul3A_2, %sign3A_5 : i32
    %sign3A_7 = arith.extui %sign3A_6 : i1 to i32
    %sign3A_8 = arith.subi %sign3A_4, %sign3A_7 : i32
    %sign3A_9 = arith.constant 0 : i32
    %sign3A_10 = arith.cmpi sgt, %jit3A, %sign3A_9 : i32
    %sign3A_11 = arith.extui %sign3A_10 : i1 to i32
    %sign3A_12 = arith.constant 0 : i32
    %sign3A_13 = arith.cmpi slt, %jit3A, %sign3A_12 : i32
    %sign3A_14 = arith.extui %sign3A_13 : i1 to i32
    %sign3A_15 = arith.subi %sign3A_11, %sign3A_14 : i32
    %ne3A = arith.cmpi ne, %sign3A_8, %sign3A_15 : i32
    %rem3A = arith.remsi %mul3A_2, %jit3A : i32
    %ne3A_16 = arith.constant 0 : i32
    %ne3A_17 = arith.cmpi ne, %rem3A, %ne3A_16 : i32
    %and3A = arith.andi %ne3A, %ne3A_17 : i1
    %sub3A = arith.constant 1 : i32
    %sub3A_18 = arith.subi %div3A, %sub3A : i32
    %select_n3A = arith.select %and3A, %sub3A_18, %div3A : i32
    "tpu.region"() ({
      %run_scoped3A = tpu.sem_alloc : memref<!tpu.dma_semaphore, #tpu.memory_space<semaphore_mem>>
      %dma_start3A_41 = arith.constant 0 : i32
      %dma_start3A_42 = arith.constant 0 : i32
      %dma_start3A_43 = tpu.memref_slice %arg3[%select_n3A, %dma_start3A_41, %dma_start3A_42] : memref<4x3x8192xf32, #tpu.memory_space<hbm>> -> memref<1x3x8192xf32, #tpu.memory_space<hbm>>
      %dma_start3A_44 = tpu.memref_squeeze %dma_start3A_43 : memref<1x3x8192xf32, #tpu.memory_space<hbm>> -> memref<3x8192xf32, #tpu.memory_space<hbm>>
      %dma_start3A_45 = arith.constant 0 : i32
      %dma_start3A_46 = arith.constant 0 : i32
      %dma_start3A_47 = tpu.memref_slice %arg3[%select_n3A, %dma_start3A_45, %dma_start3A_46] : memref<4x3x8192xf32, #tpu.memory_space<hbm>> -> memref<1x3x8192xf32, #tpu.memory_space<hbm>>
      %dma_start3A_48 = tpu.memref_squeeze %dma_start3A_47 : memref<1x3x8192xf32, #tpu.memory_space<hbm>> -> memref<3x8192xf32, #tpu.memory_space<hbm>>
      tpu.enqueue_dma source(%dma_start3A_48 : memref<3x8192xf32, #tpu.memory_space<hbm>>) target(%arg7 : memref<3x8192xf32, #tpu.memory_space<vmem>>) target_semaphore(%run_scoped3A : memref<!tpu.dma_semaphore, #tpu.memory_space<semaphore_mem>>)
      %dma_wait3A_49 = arith.constant 0 : i32
      %dma_wait3A_50 = arith.constant 0 : i32
      %dma_wait3A_51 = tpu.memref_slice %arg3[%select_n3A, %dma_wait3A_49, %dma_wait3A_50] : memref<4x3x8192xf32, #tpu.memory_space<hbm>> -> memref<1x3x8192xf32, #tpu.memory_space<hbm>>
      %dma_wait3A_52 = tpu.memref_squeeze %dma_wait3A_51 : memref<1x3x8192xf32, #tpu.memory_space<hbm>> -> memref<3x8192xf32, #tpu.memory_space<hbm>>
      %dma_wait3A_53 = arith.constant 0 : i32
      %dma_wait3A_54 = arith.constant 0 : i32
      %dma_wait3A_55 = tpu.memref_slice %arg3[%select_n3A, %dma_wait3A_53, %dma_wait3A_54] : memref<4x3x8192xf32, #tpu.memory_space<hbm>> -> memref<1x3x8192xf32, #tpu.memory_space<hbm>>
      %dma_wait3A_56 = tpu.memref_squeeze %dma_wait3A_55 : memref<1x3x8192xf32, #tpu.memory_space<hbm>> -> memref<3x8192xf32, #tpu.memory_space<hbm>>
      tpu.wait_dma2 semaphore(%run_scoped3A : memref<!tpu.dma_semaphore, #tpu.memory_space<semaphore_mem>>) src(%dma_wait3A_56 : memref<3x8192xf32, #tpu.memory_space<hbm>>) dst(%arg7 : memref<3x8192xf32, #tpu.memory_space<vmem>>)
      tpu.yield
    }) : () -> ()
    %iota3A = tpu.iota {dimensions = array<i32: 0>} : vector<16xi32>
    %broadcast_in_dim3A = arith.constant 0x7F800000 : f32
    %broadcast_in_dim3A_19 = vector.broadcast %broadcast_in_dim3A : f32 to vector<16xf32>
    %broadcast_in_dim3A_20 = arith.constant 1073741824 : i32
    %broadcast_in_dim3A_21 = vector.broadcast %broadcast_in_dim3A_20 : i32 to vector<16xi32>
    %add3A_22 = arith.constant 32 : i32
    %add3A_23 = arith.addi %mul3A_2, %add3A_22 : i32
    %sub3A_24 = arith.constant 1 : i32
    %sub3A_25 = arith.subi %add3A_23, %sub3A_24 : i32
    %dma_start3A = arith.constant 0 : i32
    %dma_start3A_26 = tpu.memref_slice %arg2[%mul3A_2, %dma_start3A] : memref<1024x8192xf32, #tpu.memory_space<hbm>> -> memref<1x8192xf32, #tpu.memory_space<hbm>>
    %dma_start3A_27 = tpu.memref_squeeze %dma_start3A_26 : memref<1x8192xf32, #tpu.memory_space<hbm>> -> memref<8192xf32, #tpu.memory_space<hbm>>
    %dma_start3A_28 = arith.constant 0 : i32
    %dma_start3A_29 = tpu.memref_slice %arg2[%mul3A_2, %dma_start3A_28] : memref<1024x8192xf32, #tpu.memory_space<hbm>> -> memref<1x8192xf32, #tpu.memory_space<hbm>>
    %dma_start3A_30 = tpu.memref_squeeze %dma_start3A_29 : memref<1x8192xf32, #tpu.memory_space<hbm>> -> memref<8192xf32, #tpu.memory_space<hbm>>
    tpu.enqueue_dma source(%dma_start3A_30 : memref<8192xf32, #tpu.memory_space<hbm>>) target(%arg5 : memref<8192xf32, #tpu.memory_space<vmem>>) target_semaphore(%arg12 : memref<!tpu.dma_semaphore, #tpu.memory_space<semaphore_mem>>)
    %scan3A = arith.constant 0 : i32
    %scan3A_31 = arith.constant 0 : i32
    %scan3A_32 = arith.constant 16 : i32
    %scan3A_33 = arith.addi %scan3A_31, %scan3A_32 : i32
    %scan3A_34 = arith.constant 1 : i32
    scf.for %scan3A_41 = %scan3A_31 to %scan3A_33 step %scan3A_34  : i32 {
      %mul3A_42 = arith.constant 2 : i32
      %mul3A_43 = arith.muli %mul3A_42, %scan3A_41 : i32
      %add3A_44 = arith.addi %mul3A_2, %mul3A_43 : i32
      %dma_wait3A_45 = arith.constant 0 : i32
      %dma_wait3A_46 = tpu.memref_slice %arg2[%add3A_44, %dma_wait3A_45] : memref<1024x8192xf32, #tpu.memory_space<hbm>> -> memref<1x8192xf32, #tpu.memory_space<hbm>>
      %dma_wait3A_47 = tpu.memref_squeeze %dma_wait3A_46 : memref<1x8192xf32, #tpu.memory_space<hbm>> -> memref<8192xf32, #tpu.memory_space<hbm>>
      %dma_wait3A_48 = arith.constant 0 : i32
      %dma_wait3A_49 = tpu.memref_slice %arg2[%add3A_44, %dma_wait3A_48] : memref<1024x8192xf32, #tpu.memory_space<hbm>> -> memref<1x8192xf32, #tpu.memory_space<hbm>>
      %dma_wait3A_50 = tpu.memref_squeeze %dma_wait3A_49 : memref<1x8192xf32, #tpu.memory_space<hbm>> -> memref<8192xf32, #tpu.memory_space<hbm>>
      tpu.wait_dma2 semaphore(%arg12 : memref<!tpu.dma_semaphore, #tpu.memory_space<semaphore_mem>>) src(%dma_wait3A_50 : memref<8192xf32, #tpu.memory_space<hbm>>) dst(%arg5 : memref<8192xf32, #tpu.memory_space<vmem>>)
      %add3A_51 = arith.constant 1 : i32
      %add3A_52 = arith.addi %add3A_44, %add3A_51 : i32
      %min3A = arith.minsi %add3A_52, %sub3A_25 : i32
      %dma_start3A_53 = arith.constant 0 : i32
      %dma_start3A_54 = tpu.memref_slice %arg2[%min3A, %dma_start3A_53] : memref<1024x8192xf32, #tpu.memory_space<hbm>> -> memref<1x8192xf32, #tpu.memory_space<hbm>>
      %dma_start3A_55 = tpu.memref_squeeze %dma_start3A_54 : memref<1x8192xf32, #tpu.memory_space<hbm>> -> memref<8192xf32, #tpu.memory_space<hbm>>
      %dma_start3A_56 = arith.constant 0 : i32
      %dma_start3A_57 = tpu.memref_slice %arg2[%min3A, %dma_start3A_56] : memref<1024x8192xf32, #tpu.memory_space<hbm>> -> memref<1x8192xf32, #tpu.memory_space<hbm>>
      %dma_start3A_58 = tpu.memref_squeeze %dma_start3A_57 : memref<1x8192xf32, #tpu.memory_space<hbm>> -> memref<8192xf32, #tpu.memory_space<hbm>>
      tpu.enqueue_dma source(%dma_start3A_58 : memref<8192xf32, #tpu.memory_space<hbm>>) target(%arg6 : memref<8192xf32, #tpu.memory_space<vmem>>) target_semaphore(%arg13 : memref<!tpu.dma_semaphore, #tpu.memory_space<semaphore_mem>>)
      %mul3A_59 = arith.constant 2 : i32
      %mul3A_60 = arith.muli %mul3A_59, %scan3A_41 : i32
      %parallel_loop3A = arith.constant 0 : i32
      %parallel_loop3A_61 = arith.constant 128 : i32
      %parallel_loop3A_62 = arith.constant 1 : i32
      %parallel_loop3A_63:2 = scf.for %parallel_loop3A_303 = %parallel_loop3A to %parallel_loop3A_61 step %parallel_loop3A_62 iter_args(%parallel_loop3A_304 = %broadcast_in_dim3A_19, %parallel_loop3A_305 = %broadcast_in_dim3A_19) -> (vector<16xf32>, vector<16xf32>)  : i32 {
        %parallel_loop3A_306 = arith.constant 64 : i32
        %parallel_loop3A_307 = arith.muli %parallel_loop3A_306, %parallel_loop3A_303 : i32
        %parallel_loop3A_308 = arith.index_cast %parallel_loop3A_307 : i32 to index
        %parallel_loop3A_309 = tpu.vector_load %arg5[%parallel_loop3A_308] {strides = array<i32>} : memref<8192xf32, #tpu.memory_space<vmem>>, vector<16xf32>,
        %parallel_loop3A_310 = arith.constant 64 : i32
        %parallel_loop3A_311 = arith.muli %parallel_loop3A_310, %parallel_loop3A_303 : i32
        %parallel_loop3A_312 = arith.constant 16 : i32
        %parallel_loop3A_313 = arith.addi %parallel_loop3A_311, %parallel_loop3A_312 : i32
        %parallel_loop3A_314 = arith.index_cast %parallel_loop3A_313 : i32 to index
        %parallel_loop3A_315 = tpu.vector_load %arg5[%parallel_loop3A_314] {strides = array<i32>} : memref<8192xf32, #tpu.memory_space<vmem>>, vector<16xf32>,
        %parallel_loop3A_316 = arith.constant 64 : i32
        %parallel_loop3A_317 = arith.muli %parallel_loop3A_316, %parallel_loop3A_303 : i32
        %parallel_loop3A_318 = arith.constant 32 : i32
        %parallel_loop3A_319 = arith.addi %parallel_loop3A_317, %parallel_loop3A_318 : i32
        %parallel_loop3A_320 = arith.index_cast %parallel_loop3A_319 : i32 to index
        %parallel_loop3A_321 = tpu.vector_load %arg5[%parallel_loop3A_320] {strides = array<i32>} : memref<8192xf32, #tpu.memory_space<vmem>>, vector<16xf32>,
        %parallel_loop3A_322 = arith.constant 64 : i32
        %parallel_loop3A_323 = arith.muli %parallel_loop3A_322, %parallel_loop3A_303 : i32
        %parallel_loop3A_324 = arith.constant 48 : i32
        %parallel_loop3A_325 = arith.addi %parallel_loop3A_323, %parallel_loop3A_324 : i32
        %parallel_loop3A_326 = arith.index_cast %parallel_loop3A_325 : i32 to index
        %parallel_loop3A_327 = tpu.vector_load %arg5[%parallel_loop3A_326] {strides = array<i32>} : memref<8192xf32, #tpu.memory_space<vmem>>, vector<16xf32>,
        %parallel_loop3A_328 = arith.minimumf %parallel_loop3A_309, %parallel_loop3A_321 : vector<16xf32>
        %parallel_loop3A_329 = arith.minimumf %parallel_loop3A_304, %parallel_loop3A_328 : vector<16xf32>
        %parallel_loop3A_330 = arith.minimumf %parallel_loop3A_315, %parallel_loop3A_327 : vector<16xf32>
        %parallel_loop3A_331 = arith.minimumf %parallel_loop3A_305, %parallel_loop3A_330 : vector<16xf32>
        scf.yield %parallel_loop3A_329, %parallel_loop3A_331 : vector<16xf32>, vector<16xf32>
      } {sc.loop_unroll_factor = 8 : i64, sc.parallel_access}
      %max3A = arith.maximumf %parallel_loop3A_63#0, %parallel_loop3A_63#1 : vector<16xf32>
      %reduce_max3A = arith.constant true
      %reduce_max3A_64 = vector.broadcast %reduce_max3A : i1 to vector<16xi1>
      %reduce_max3A_65 = tpu.scan <max>, %max3A masked %reduce_max3A_64 : vector<16xf32>, vector<16xi1> -> vector<16xf32>
      %reduce_max3A_66 = vector.extract %reduce_max3A_65[15] : f32 from vector<16xf32>
      %broadcast_in_dim3A_67 = arith.constant 0 : i32
      %broadcast_in_dim3A_68 = vector.broadcast %broadcast_in_dim3A_67 : i32 to vector<16xi32>
      %parallel_loop3A_69 = arith.constant 0 : i32
      %parallel_loop3A_70 = arith.constant 512 : i32
      %parallel_loop3A_71 = arith.constant 1 : i32
      %parallel_loop3A_72 = scf.for %parallel_loop3A_303 = %parallel_loop3A_69 to %parallel_loop3A_70 step %parallel_loop3A_71 iter_args(%parallel_loop3A_304 = %broadcast_in_dim3A_68) -> (vector<16xi32>)  : i32 {
        %parallel_loop3A_305 = arith.constant 16 : i32
        %parallel_loop3A_306 = arith.muli %parallel_loop3A_305, %parallel_loop3A_303 : i32
        %parallel_loop3A_307 = arith.index_cast %parallel_loop3A_306 : i32 to index
        %parallel_loop3A_308 = tpu.vector_load %arg5[%parallel_loop3A_307] {strides = array<i32>} : memref<8192xf32, #tpu.memory_space<vmem>>, vector<16xf32>,
        %parallel_loop3A_309 = vector.broadcast %reduce_max3A_66 : f32 to vector<16xf32>
        %parallel_loop3A_310 = arith.cmpf ole, %parallel_loop3A_308, %parallel_loop3A_309 : vector<16xf32>
        %parallel_loop3A_311 = arith.extui %parallel_loop3A_310 : vector<16xi1> to vector<16xi32>
        %parallel_loop3A_312 = arith.constant true
        %parallel_loop3A_313 = vector.broadcast %parallel_loop3A_312 : i1 to vector<16xi1>
        %parallel_loop3A_314 = tpu.scan <sum>, %parallel_loop3A_311 masked %parallel_loop3A_313 : vector<16xi32>, vector<16xi1> -> vector<16xi32>
        %parallel_loop3A_315 = arith.subi %parallel_loop3A_314, %parallel_loop3A_311 : vector<16xi32>
        %parallel_loop3A_316 = arith.addi %parallel_loop3A_304, %parallel_loop3A_315 : vector<16xi32>
        tpu.vector_store_idx %arg8[%parallel_loop3A_316], %parallel_loop3A_308 masked %parallel_loop3A_310 : memref<8208xf32, #tpu.memory_space<vmem>>[vector<16xi32>], vector<16xf32>, vector<16xi1>
        %parallel_loop3A_317 = arith.constant 16 : i32
        %parallel_loop3A_318 = arith.muli %parallel_loop3A_317, %parallel_loop3A_303 : i32
        %parallel_loop3A_319 = vector.broadcast %parallel_loop3A_318 : i32 to vector<16xi32>
        %parallel_loop3A_320 = arith.addi %iota3A, %parallel_loop3A_319 : vector<16xi32>
        tpu.vector_store_idx %arg9[%parallel_loop3A_316], %parallel_loop3A_320 masked %parallel_loop3A_310 : memref<8208xi32, #tpu.memory_space<vmem>>[vector<16xi32>], vector<16xi32>, vector<16xi1>
        %parallel_loop3A_321 = tpu.all_reduce %parallel_loop3A_310 {dim = 0 : i64, kind = #tpu.reduction_kind<sum>} : vector<16xi1> -> vector<16xi32>
        %parallel_loop3A_322 = arith.addi %parallel_loop3A_304, %parallel_loop3A_321 : vector<16xi32>
        scf.yield %parallel_loop3A_322 : vector<16xi32>
      } {sc.loop_unroll_factor = 8 : i64, sc.parallel_access}
      %reduce_max3A_73 = arith.constant true
      %reduce_max3A_74 = vector.broadcast %reduce_max3A_73 : i1 to vector<16xi1>
      %reduce_max3A_75 = arith.constant -2147483648 : i32
      %reduce_max3A_76 = vector.broadcast %reduce_max3A_75 : i32 to vector<16xi32>
      %reduce_max3A_77 = arith.xori %parallel_loop3A_72, %reduce_max3A_76 : vector<16xi32>
      %reduce_max3A_78 = tpu.scan <max>, %reduce_max3A_77 masked %reduce_max3A_74 : vector<16xi32>, vector<16xi1> -> vector<16xi32>
      %reduce_max3A_79 = arith.xori %reduce_max3A_78, %reduce_max3A_76 : vector<16xi32>
      %reduce_max3A_80 = vector.extract %reduce_max3A_79[15] : i32 from vector<16xi32>
      %add3A_81 = arith.constant 15 : i32
      %add3A_82 = arith.addi %reduce_max3A_80, %add3A_81 : i32
      %jit3A_83 = arith.constant 16 : i32
      %div3A_84 = arith.divsi %add3A_82, %jit3A_83 : i32
      %sign3A_85 = arith.constant 0 : i32
      %sign3A_86 = arith.cmpi sgt, %add3A_82, %sign3A_85 : i32
      %sign3A_87 = arith.extui %sign3A_86 : i1 to i32
      %sign3A_88 = arith.constant 0 : i32
      %sign3A_89 = arith.cmpi slt, %add3A_82, %sign3A_88 : i32
      %sign3A_90 = arith.extui %sign3A_89 : i1 to i32
      %sign3A_91 = arith.subi %sign3A_87, %sign3A_90 : i32
      %sign3A_92 = arith.constant 0 : i32
      %sign3A_93 = arith.cmpi sgt, %jit3A_83, %sign3A_92 : i32
      %sign3A_94 = arith.extui %sign3A_93 : i1 to i32
      %sign3A_95 = arith.constant 0 : i32
      %sign3A_96 = arith.cmpi slt, %jit3A_83, %sign3A_95 : i32
      %sign3A_97 = arith.extui %sign3A_96 : i1 to i32
      %sign3A_98 = arith.subi %sign3A_94, %sign3A_97 : i32
      %ne3A_99 = arith.cmpi ne, %sign3A_91, %sign3A_98 : i32
      %rem3A_100 = arith.remsi %add3A_82, %jit3A_83 : i32
      %ne3A_101 = arith.constant 0 : i32
      %ne3A_102 = arith.cmpi ne, %rem3A_100, %ne3A_101 : i32
      %and3A_103 = arith.andi %ne3A_99, %ne3A_102 : i1
      %sub3A_104 = arith.constant 1 : i32
      %sub3A_105 = arith.subi %div3A_84, %sub3A_104 : i32
      %select_n3A_106 = arith.select %and3A_103, %sub3A_105, %div3A_84 : i32
      %scan3A_107 = arith.constant 0 : i32
      %scan3A_108 = arith.constant 0 : i32
      %scan3A_109 = arith.constant 32 : i32
      %scan3A_110 = arith.addi %scan3A_108, %scan3A_109 : i32
      %scan3A_111 = arith.constant 1 : i32
      scf.for %scan3A_303 = %scan3A_108 to %scan3A_110 step %scan3A_111  : i32 {
        %while3A = arith.constant 0 : i32
        %while3A_304 = arith.subi %select_n3A_106, %while3A : i32
        %while3A_305 = arith.addi %while3A, %while3A_304 : i32
        %while3A_306 = arith.constant 1 : i32
        %while3A_307 = arith.divsi %while3A_304, %while3A_306 : i32
        %while3A_308 = arith.muli %while3A_307, %while3A_306 : i32
        %while3A_309 = arith.addi %while3A, %while3A_308 : i32
        %while3A_310 = arith.constant 1 : i32
        %while3A_311:2 = scf.for %while3A_336 = %while3A to %while3A_309 step %while3A_310 iter_args(%while3A_337 = %broadcast_in_dim3A_19, %while3A_338 = %broadcast_in_dim3A_21) -> (vector<16xf32>, vector<16xi32>)  : i32 {
          %mul3A_339 = arith.constant 16 : i32
          %mul3A_340 = arith.muli %mul3A_339, %while3A_336 : i32
          %add3A_341 = vector.broadcast %mul3A_340 : i32 to vector<16xi32>
          %add3A_342 = arith.addi %iota3A, %add3A_341 : vector<16xi32>
          %lt3A = vector.broadcast %reduce_max3A_80 : i32 to vector<16xi32>
          %lt3A_343 = arith.cmpi slt, %add3A_342, %lt3A : vector<16xi32>
          %mul3A_344 = arith.constant 16 : i32
          %mul3A_345 = arith.muli %mul3A_344, %while3A_336 : i32
          %get3A_346 = arith.index_cast %mul3A_345 : i32 to index
          %get3A_347 = tpu.vector_load %arg8[%get3A_346] {strides = array<i32>} : memref<8208xf32, #tpu.memory_space<vmem>>, vector<16xf32>,
          %jit3A_348 = arith.constant 0x7F800000 : f32
          %broadcast_in_dim3A_349 = vector.broadcast %jit3A_348 : f32 to vector<16xf32>
          %select_n3A_350 = arith.select %lt3A_343, %get3A_347, %broadcast_in_dim3A_349 : vector<16xi1>, vector<16xf32>
          %mul3A_351 = arith.constant 16 : i32
          %mul3A_352 = arith.muli %mul3A_351, %while3A_336 : i32
          %get3A_353 = arith.index_cast %mul3A_352 : i32 to index
          %get3A_354 = tpu.vector_load %arg9[%get3A_353] {strides = array<i32>} : memref<8208xi32, #tpu.memory_space<vmem>>, vector<16xi32>,
          %mul3A_355 = arith.constant 16384 : i32
          %mul3A_356 = vector.broadcast %mul3A_355 : i32 to vector<16xi32>
          %mul3A_357 = arith.muli %get3A_354, %mul3A_356 : vector<16xi32>
          %add3A_358 = arith.addi %mul3A_357, %add3A_342 : vector<16xi32>
          %lt3A_359 = arith.cmpf olt, %select_n3A_350, %while3A_337 : vector<16xf32>
          %select_n3A_360 = arith.select %lt3A_359, %select_n3A_350, %while3A_337 : vector<16xi1>, vector<16xf32>
          %select_n3A_361 = arith.select %lt3A_359, %add3A_358, %while3A_338 : vector<16xi1>, vector<16xi32>
          scf.yield %select_n3A_360, %select_n3A_361 : vector<16xf32>, vector<16xi32>
        }
        %while3A_312 = arith.constant 1 : i32
        %while3A_313:2 = scf.for %while3A_336 = %while3A_309 to %while3A_305 step %while3A_312 iter_args(%while3A_337 = %while3A_311#0, %while3A_338 = %while3A_311#1) -> (vector<16xf32>, vector<16xi32>)  : i32 {
          %mul3A_339 = arith.constant 16 : i32
          %mul3A_340 = arith.muli %mul3A_339, %while3A_336 : i32
          %add3A_341 = vector.broadcast %mul3A_340 : i32 to vector<16xi32>
          %add3A_342 = arith.addi %iota3A, %add3A_341 : vector<16xi32>
          %lt3A = vector.broadcast %reduce_max3A_80 : i32 to vector<16xi32>
          %lt3A_343 = arith.cmpi slt, %add3A_342, %lt3A : vector<16xi32>
          %mul3A_344 = arith.constant 16 : i32
          %mul3A_345 = arith.muli %mul3A_344, %while3A_336 : i32
          %get3A_346 = arith.index_cast %mul3A_345 : i32 to index
          %get3A_347 = tpu.vector_load %arg8[%get3A_346] {strides = array<i32>} : memref<8208xf32, #tpu.memory_space<vmem>>, vector<16xf32>,
          %jit3A_348 = arith.constant 0x7F800000 : f32
          %broadcast_in_dim3A_349 = vector.broadcast %jit3A_348 : f32 to vector<16xf32>
          %select_n3A_350 = arith.select %lt3A_343, %get3A_347, %broadcast_in_dim3A_349 : vector<16xi1>, vector<16xf32>
          %mul3A_351 = arith.constant 16 : i32
          %mul3A_352 = arith.muli %mul3A_351, %while3A_336 : i32
          %get3A_353 = arith.index_cast %mul3A_352 : i32 to index
          %get3A_354 = tpu.vector_load %arg9[%get3A_353] {strides = array<i32>} : memref<8208xi32, #tpu.memory_space<vmem>>, vector<16xi32>,
          %mul3A_355 = arith.constant 16384 : i32
          %mul3A_356 = vector.broadcast %mul3A_355 : i32 to vector<16xi32>
          %mul3A_357 = arith.muli %get3A_354, %mul3A_356 : vector<16xi32>
          %add3A_358 = arith.addi %mul3A_357, %add3A_342 : vector<16xi32>
          %lt3A_359 = arith.cmpf olt, %select_n3A_350, %while3A_337 : vector<16xf32>
          %select_n3A_360 = arith.select %lt3A_359, %select_n3A_350, %while3A_337 : vector<16xi1>, vector<16xf32>
          %select_n3A_361 = arith.select %lt3A_359, %add3A_358, %while3A_338 : vector<16xi1>, vector<16xi32>
          scf.yield %select_n3A_360, %select_n3A_361 : vector<16xf32>, vector<16xi32>
        }
        %reduce_min3A = arith.constant true
        %reduce_min3A_314 = vector.broadcast %reduce_min3A : i1 to vector<16xi1>
        %reduce_min3A_315 = tpu.scan <min>, %while3A_313#0 masked %reduce_min3A_314 : vector<16xf32>, vector<16xi1> -> vector<16xf32>
        %reduce_min3A_316 = vector.extract %reduce_min3A_315[15] : f32 from vector<16xf32>
        %eq3A = vector.broadcast %reduce_min3A_316 : f32 to vector<16xf32>
        %eq3A_317 = arith.cmpf oeq, %while3A_313#0, %eq3A : vector<16xf32>
        %select_n3A_318 = arith.select %eq3A_317, %while3A_313#1, %broadcast_in_dim3A_21 : vector<16xi1>, vector<16xi32>
        %reduce_min3A_319 = arith.constant true
        %reduce_min3A_320 = vector.broadcast %reduce_min3A_319 : i1 to vector<16xi1>
        %reduce_min3A_321 = arith.constant -2147483648 : i32
        %reduce_min3A_322 = vector.broadcast %reduce_min3A_321 : i32 to vector<16xi32>
        %reduce_min3A_323 = arith.xori %select_n3A_318, %reduce_min3A_322 : vector<16xi32>
        %reduce_min3A_324 = tpu.scan <min>, %reduce_min3A_323 masked %reduce_min3A_320 : vector<16xi32>, vector<16xi1> -> vector<16xi32>
        %reduce_min3A_325 = arith.xori %reduce_min3A_324, %reduce_min3A_322 : vector<16xi32>
        %reduce_min3A_326 = vector.extract %reduce_min3A_325[15] : i32 from vector<16xi32>
        %shift_right_arithmetic3A = arith.constant 14 : i32
        %shift_right_arithmetic3A_327 = arith.shrsi %reduce_min3A_326, %shift_right_arithmetic3A : i32
        %and3A_328 = arith.constant 16383 : i32
        %and3A_329 = arith.andi %reduce_min3A_326, %and3A_328 : i32
        %eq3A_330 = arith.constant 0 : i32
        %eq3A_331 = vector.broadcast %eq3A_330 : i32 to vector<16xi32>
        %eq3A_332 = arith.cmpi eq, %iota3A, %eq3A_331 : vector<16xi32>
        %broadcast_in_dim3A_333 = vector.broadcast %and3A_329 : i32 to vector<16xi32>
        tpu.vector_store_idx %arg8[%broadcast_in_dim3A_333], %broadcast_in_dim3A_19 masked %eq3A_332 : memref<8208xf32, #tpu.memory_space<vmem>>[vector<16xi32>], vector<16xf32>, vector<16xi1>
        %broadcast_in_dim3A_334 = vector.broadcast %scan3A_303 : i32 to vector<16xi32>
        %broadcast_in_dim3A_335 = vector.broadcast %shift_right_arithmetic3A_327 : i32 to vector<16xi32>
        tpu.vector_store_idx %arg10[%broadcast_in_dim3A_334], %broadcast_in_dim3A_335 masked %eq3A_332 : memref<32xi32, #tpu.memory_space<vmem>>[vector<16xi32>], vector<16xi32>, vector<16xi1>
      }
      %scan3A_112 = arith.constant 32 : i32
      %broadcast_in_dim3A_113 = vector.broadcast %mul3A_60 : i32 to vector<16xi32>
      %get3A = arith.constant 0 : index
      %get3A_114 = tpu.vector_load %arg10[%get3A] {strides = array<i32>} : memref<32xi32, #tpu.memory_space<vmem>>, vector<16xi32>,
      %broadcast_in_dim3A_115 = arith.constant 0 : i32
      %broadcast_in_dim3A_116 = vector.broadcast %broadcast_in_dim3A_115 : i32 to vector<16xi32>
      %gather3A = tpu.vector_load_idx %arg7[%broadcast_in_dim3A_116, %get3A_114] : memref<3x8192xf32, #tpu.memory_space<vmem>>[vector<16xi32>, vector<16xi32>], vector<16xf32>,
      %mul3A_117 = arith.constant 3 : i32
      %mul3A_118 = vector.broadcast %mul3A_117 : i32 to vector<16xi32>
      %mul3A_119 = arith.muli %iota3A, %mul3A_118 : vector<16xi32>
      %add3A_120 = arith.constant 0 : i32
      %add3A_121 = vector.broadcast %add3A_120 : i32 to vector<16xi32>
      %add3A_122 = arith.addi %mul3A_119, %add3A_121 : vector<16xi32>
      tpu.vector_store_idx %arg11[%broadcast_in_dim3A_113, %add3A_122], %gather3A : memref<32x96xf32, #tpu.memory_space<vmem>>[vector<16xi32>, vector<16xi32>], vector<16xf32>,
      %broadcast_in_dim3A_123 = arith.constant 1 : i32
      %broadcast_in_dim3A_124 = vector.broadcast %broadcast_in_dim3A_123 : i32 to vector<16xi32>
      %gather3A_125 = tpu.vector_load_idx %arg7[%broadcast_in_dim3A_124, %get3A_114] : memref<3x8192xf32, #tpu.memory_space<vmem>>[vector<16xi32>, vector<16xi32>], vector<16xf32>,
      %mul3A_126 = arith.constant 3 : i32
      %mul3A_127 = vector.broadcast %mul3A_126 : i32 to vector<16xi32>
      %mul3A_128 = arith.muli %iota3A, %mul3A_127 : vector<16xi32>
      %add3A_129 = arith.constant 1 : i32
      %add3A_130 = vector.broadcast %add3A_129 : i32 to vector<16xi32>
      %add3A_131 = arith.addi %mul3A_128, %add3A_130 : vector<16xi32>
      tpu.vector_store_idx %arg11[%broadcast_in_dim3A_113, %add3A_131], %gather3A_125 : memref<32x96xf32, #tpu.memory_space<vmem>>[vector<16xi32>, vector<16xi32>], vector<16xf32>,
      %broadcast_in_dim3A_132 = arith.constant 2 : i32
      %broadcast_in_dim3A_133 = vector.broadcast %broadcast_in_dim3A_132 : i32 to vector<16xi32>
      %gather3A_134 = tpu.vector_load_idx %arg7[%broadcast_in_dim3A_133, %get3A_114] : memref<3x8192xf32, #tpu.memory_space<vmem>>[vector<16xi32>, vector<16xi32>], vector<16xf32>,
      %mul3A_135 = arith.constant 3 : i32
      %mul3A_136 = vector.broadcast %mul3A_135 : i32 to vector<16xi32>
      %mul3A_137 = arith.muli %iota3A, %mul3A_136 : vector<16xi32>
      %add3A_138 = arith.constant 2 : i32
      %add3A_139 = vector.broadcast %add3A_138 : i32 to vector<16xi32>
      %add3A_140 = arith.addi %mul3A_137, %add3A_139 : vector<16xi32>
      tpu.vector_store_idx %arg11[%broadcast_in_dim3A_113, %add3A_140], %gather3A_134 : memref<32x96xf32, #tpu.memory_space<vmem>>[vector<16xi32>, vector<16xi32>], vector<16xf32>,
      %get3A_141 = arith.constant 16 : index
      %get3A_142 = tpu.vector_load %arg10[%get3A_141] {strides = array<i32>} : memref<32xi32, #tpu.memory_space<vmem>>, vector<16xi32>,
      %broadcast_in_dim3A_143 = arith.constant 0 : i32
      %broadcast_in_dim3A_144 = vector.broadcast %broadcast_in_dim3A_143 : i32 to vector<16xi32>
      %gather3A_145 = tpu.vector_load_idx %arg7[%broadcast_in_dim3A_144, %get3A_142] : memref<3x8192xf32, #tpu.memory_space<vmem>>[vector<16xi32>, vector<16xi32>], vector<16xf32>,
      %mul3A_146 = arith.constant 3 : i32
      %mul3A_147 = vector.broadcast %mul3A_146 : i32 to vector<16xi32>
      %mul3A_148 = arith.muli %iota3A, %mul3A_147 : vector<16xi32>
      %add3A_149 = arith.constant 48 : i32
      %add3A_150 = vector.broadcast %add3A_149 : i32 to vector<16xi32>
      %add3A_151 = arith.addi %mul3A_148, %add3A_150 : vector<16xi32>
      tpu.vector_store_idx %arg11[%broadcast_in_dim3A_113, %add3A_151], %gather3A_145 : memref<32x96xf32, #tpu.memory_space<vmem>>[vector<16xi32>, vector<16xi32>], vector<16xf32>,
      %broadcast_in_dim3A_152 = arith.constant 1 : i32
      %broadcast_in_dim3A_153 = vector.broadcast %broadcast_in_dim3A_152 : i32 to vector<16xi32>
      %gather3A_154 = tpu.vector_load_idx %arg7[%broadcast_in_dim3A_153, %get3A_142] : memref<3x8192xf32, #tpu.memory_space<vmem>>[vector<16xi32>, vector<16xi32>], vector<16xf32>,
      %mul3A_155 = arith.constant 3 : i32
      %mul3A_156 = vector.broadcast %mul3A_155 : i32 to vector<16xi32>
      %mul3A_157 = arith.muli %iota3A, %mul3A_156 : vector<16xi32>
      %add3A_158 = arith.constant 49 : i32
      %add3A_159 = vector.broadcast %add3A_158 : i32 to vector<16xi32>
      %add3A_160 = arith.addi %mul3A_157, %add3A_159 : vector<16xi32>
      tpu.vector_store_idx %arg11[%broadcast_in_dim3A_113, %add3A_160], %gather3A_154 : memref<32x96xf32, #tpu.memory_space<vmem>>[vector<16xi32>, vector<16xi32>], vector<16xf32>,
      %broadcast_in_dim3A_161 = arith.constant 2 : i32
      %broadcast_in_dim3A_162 = vector.broadcast %broadcast_in_dim3A_161 : i32 to vector<16xi32>
      %gather3A_163 = tpu.vector_load_idx %arg7[%broadcast_in_dim3A_162, %get3A_142] : memref<3x8192xf32, #tpu.memory_space<vmem>>[vector<16xi32>, vector<16xi32>], vector<16xf32>,
      %mul3A_164 = arith.constant 3 : i32
      %mul3A_165 = vector.broadcast %mul3A_164 : i32 to vector<16xi32>
      %mul3A_166 = arith.muli %iota3A, %mul3A_165 : vector<16xi32>
      %add3A_167 = arith.constant 50 : i32
      %add3A_168 = vector.broadcast %add3A_167 : i32 to vector<16xi32>
      %add3A_169 = arith.addi %mul3A_166, %add3A_168 : vector<16xi32>
      tpu.vector_store_idx %arg11[%broadcast_in_dim3A_113, %add3A_169], %gather3A_163 : memref<32x96xf32, #tpu.memory_space<vmem>>[vector<16xi32>, vector<16xi32>], vector<16xf32>,
      %dma_wait3A_170 = arith.constant 0 : i32
      %dma_wait3A_171 = tpu.memref_slice %arg2[%add3A_44, %dma_wait3A_170] : memref<1024x8192xf32, #tpu.memory_space<hbm>> -> memref<1x8192xf32, #tpu.memory_space<hbm>>
      %dma_wait3A_172 = tpu.memref_squeeze %dma_wait3A_171 : memref<1x8192xf32, #tpu.memory_space<hbm>> -> memref<8192xf32, #tpu.memory_space<hbm>>
      %dma_wait3A_173 = arith.constant 0 : i32
      %dma_wait3A_174 = tpu.memref_slice %arg2[%add3A_44, %dma_wait3A_173] : memref<1024x8192xf32, #tpu.memory_space<hbm>> -> memref<1x8192xf32, #tpu.memory_space<hbm>>
      %dma_wait3A_175 = tpu.memref_squeeze %dma_wait3A_174 : memref<1x8192xf32, #tpu.memory_space<hbm>> -> memref<8192xf32, #tpu.memory_space<hbm>>
      tpu.wait_dma2 semaphore(%arg13 : memref<!tpu.dma_semaphore, #tpu.memory_space<semaphore_mem>>) src(%dma_wait3A_175 : memref<8192xf32, #tpu.memory_space<hbm>>) dst(%arg6 : memref<8192xf32, #tpu.memory_space<vmem>>)
      %add3A_176 = arith.constant 2 : i32
      %add3A_177 = arith.addi %add3A_44, %add3A_176 : i32
      %min3A_178 = arith.minsi %add3A_177, %sub3A_25 : i32
      %dma_start3A_179 = arith.constant 0 : i32
      %dma_start3A_180 = tpu.memref_slice %arg2[%min3A_178, %dma_start3A_179] : memref<1024x8192xf32, #tpu.memory_space<hbm>> -> memref<1x8192xf32, #tpu.memory_space<hbm>>
      %dma_start3A_181 = tpu.memref_squeeze %dma_start3A_180 : memref<1x8192xf32, #tpu.memory_space<hbm>> -> memref<8192xf32, #tpu.memory_space<hbm>>
      %dma_start3A_182 = arith.constant 0 : i32
      %dma_start3A_183 = tpu.memref_slice %arg2[%min3A_178, %dma_start3A_182] : memref<1024x8192xf32, #tpu.memory_space<hbm>> -> memref<1x8192xf32, #tpu.memory_space<hbm>>
      %dma_start3A_184 = tpu.memref_squeeze %dma_start3A_183 : memref<1x8192xf32, #tpu.memory_space<hbm>> -> memref<8192xf32, #tpu.memory_space<hbm>>
      tpu.enqueue_dma source(%dma_start3A_184 : memref<8192xf32, #tpu.memory_space<hbm>>) target(%arg5 : memref<8192xf32, #tpu.memory_space<vmem>>) target_semaphore(%arg12 : memref<!tpu.dma_semaphore, #tpu.memory_space<semaphore_mem>>)
      %mul3A_185 = arith.constant 2 : i32
      %mul3A_186 = arith.muli %mul3A_185, %scan3A_41 : i32
      %add3A_187 = arith.constant 1 : i32
      %add3A_188 = arith.addi %mul3A_186, %add3A_187 : i32
      %parallel_loop3A_189 = arith.constant 0 : i32
      %parallel_loop3A_190 = arith.constant 128 : i32
      %parallel_loop3A_191 = arith.constant 1 : i32
      %parallel_loop3A_192:2 = scf.for %parallel_loop3A_303 = %parallel_loop3A_189 to %parallel_loop3A_190 step %parallel_loop3A_191 iter_args(%parallel_loop3A_304 = %broadcast_in_dim3A_19, %parallel_loop3A_305 = %broadcast_in_dim3A_19) -> (vector<16xf32>, vector<16xf32>)  : i32 {
        %parallel_loop3A_306 = arith.constant 64 : i32
        %parallel_loop3A_307 = arith.muli %parallel_loop3A_306, %parallel_loop3A_303 : i32
        %parallel_loop3A_308 = arith.index_cast %parallel_loop3A_307 : i32 to index
        %parallel_loop3A_309 = tpu.vector_load %arg6[%parallel_loop3A_308] {strides = array<i32>} : memref<8192xf32, #tpu.memory_space<vmem>>, vector<16xf32>,
        %parallel_loop3A_310 = arith.constant 64 : i32
        %parallel_loop3A_311 = arith.muli %parallel_loop3A_310, %parallel_loop3A_303 : i32
        %parallel_loop3A_312 = arith.constant 16 : i32
        %parallel_loop3A_313 = arith.addi %parallel_loop3A_311, %parallel_loop3A_312 : i32
        %parallel_loop3A_314 = arith.index_cast %parallel_loop3A_313 : i32 to index
        %parallel_loop3A_315 = tpu.vector_load %arg6[%parallel_loop3A_314] {strides = array<i32>} : memref<8192xf32, #tpu.memory_space<vmem>>, vector<16xf32>,
        %parallel_loop3A_316 = arith.constant 64 : i32
        %parallel_loop3A_317 = arith.muli %parallel_loop3A_316, %parallel_loop3A_303 : i32
        %parallel_loop3A_318 = arith.constant 32 : i32
        %parallel_loop3A_319 = arith.addi %parallel_loop3A_317, %parallel_loop3A_318 : i32
        %parallel_loop3A_320 = arith.index_cast %parallel_loop3A_319 : i32 to index
        %parallel_loop3A_321 = tpu.vector_load %arg6[%parallel_loop3A_320] {strides = array<i32>} : memref<8192xf32, #tpu.memory_space<vmem>>, vector<16xf32>,
        %parallel_loop3A_322 = arith.constant 64 : i32
        %parallel_loop3A_323 = arith.muli %parallel_loop3A_322, %parallel_loop3A_303 : i32
        %parallel_loop3A_324 = arith.constant 48 : i32
        %parallel_loop3A_325 = arith.addi %parallel_loop3A_323, %parallel_loop3A_324 : i32
        %parallel_loop3A_326 = arith.index_cast %parallel_loop3A_325 : i32 to index
        %parallel_loop3A_327 = tpu.vector_load %arg6[%parallel_loop3A_326] {strides = array<i32>} : memref<8192xf32, #tpu.memory_space<vmem>>, vector<16xf32>,
        %parallel_loop3A_328 = arith.minimumf %parallel_loop3A_309, %parallel_loop3A_321 : vector<16xf32>
        %parallel_loop3A_329 = arith.minimumf %parallel_loop3A_304, %parallel_loop3A_328 : vector<16xf32>
        %parallel_loop3A_330 = arith.minimumf %parallel_loop3A_315, %parallel_loop3A_327 : vector<16xf32>
        %parallel_loop3A_331 = arith.minimumf %parallel_loop3A_305, %parallel_loop3A_330 : vector<16xf32>
        scf.yield %parallel_loop3A_329, %parallel_loop3A_331 : vector<16xf32>, vector<16xf32>
      } {sc.loop_unroll_factor = 8 : i64, sc.parallel_access}
      %max3A_193 = arith.maximumf %parallel_loop3A_192#0, %parallel_loop3A_192#1 : vector<16xf32>
      %reduce_max3A_194 = arith.constant true
      %reduce_max3A_195 = vector.broadcast %reduce_max3A_194 : i1 to vector<16xi1>
      %reduce_max3A_196 = tpu.scan <max>, %max3A_193 masked %reduce_max3A_195 : vector<16xf32>, vector<16xi1> -> vector<16xf32>
      %reduce_max3A_197 = vector.extract %reduce_max3A_196[15] : f32 from vector<16xf32>
      %broadcast_in_dim3A_198 = arith.constant 0 : i32
      %broadcast_in_dim3A_199 = vector.broadcast %broadcast_in_dim3A_198 : i32 to vector<16xi32>
      %parallel_loop3A_200 = arith.constant 0 : i32
      %parallel_loop3A_201 = arith.constant 512 : i32
      %parallel_loop3A_202 = arith.constant 1 : i32
      %parallel_loop3A_203 = scf.for %parallel_loop3A_303 = %parallel_loop3A_200 to %parallel_loop3A_201 step %parallel_loop3A_202 iter_args(%parallel_loop3A_304 = %broadcast_in_dim3A_199) -> (vector<16xi32>)  : i32 {
        %parallel_loop3A_305 = arith.constant 16 : i32
        %parallel_loop3A_306 = arith.muli %parallel_loop3A_305, %parallel_loop3A_303 : i32
        %parallel_loop3A_307 = arith.index_cast %parallel_loop3A_306 : i32 to index
        %parallel_loop3A_308 = tpu.vector_load %arg6[%parallel_loop3A_307] {strides = array<i32>} : memref<8192xf32, #tpu.memory_space<vmem>>, vector<16xf32>,
        %parallel_loop3A_309 = vector.broadcast %reduce_max3A_197 : f32 to vector<16xf32>
        %parallel_loop3A_310 = arith.cmpf ole, %parallel_loop3A_308, %parallel_loop3A_309 : vector<16xf32>
        %parallel_loop3A_311 = arith.extui %parallel_loop3A_310 : vector<16xi1> to vector<16xi32>
        %parallel_loop3A_312 = arith.constant true
        %parallel_loop3A_313 = vector.broadcast %parallel_loop3A_312 : i1 to vector<16xi1>
        %parallel_loop3A_314 = tpu.scan <sum>, %parallel_loop3A_311 masked %parallel_loop3A_313 : vector<16xi32>, vector<16xi1> -> vector<16xi32>
        %parallel_loop3A_315 = arith.subi %parallel_loop3A_314, %parallel_loop3A_311 : vector<16xi32>
        %parallel_loop3A_316 = arith.addi %parallel_loop3A_304, %parallel_loop3A_315 : vector<16xi32>
        tpu.vector_store_idx %arg8[%parallel_loop3A_316], %parallel_loop3A_308 masked %parallel_loop3A_310 : memref<8208xf32, #tpu.memory_space<vmem>>[vector<16xi32>], vector<16xf32>, vector<16xi1>
        %parallel_loop3A_317 = arith.constant 16 : i32
        %parallel_loop3A_318 = arith.muli %parallel_loop3A_317, %parallel_loop3A_303 : i32
        %parallel_loop3A_319 = vector.broadcast %parallel_loop3A_318 : i32 to vector<16xi32>
        %parallel_loop3A_320 = arith.addi %iota3A, %parallel_loop3A_319 : vector<16xi32>
        tpu.vector_store_idx %arg9[%parallel_loop3A_316], %parallel_loop3A_320 masked %parallel_loop3A_310 : memref<8208xi32, #tpu.memory_space<vmem>>[vector<16xi32>], vector<16xi32>, vector<16xi1>
        %parallel_loop3A_321 = tpu.all_reduce %parallel_loop3A_310 {dim = 0 : i64, kind = #tpu.reduction_kind<sum>} : vector<16xi1> -> vector<16xi32>
        %parallel_loop3A_322 = arith.addi %parallel_loop3A_304, %parallel_loop3A_321 : vector<16xi32>
        scf.yield %parallel_loop3A_322 : vector<16xi32>
      } {sc.loop_unroll_factor = 8 : i64, sc.parallel_access}
      %reduce_max3A_204 = arith.constant true
      %reduce_max3A_205 = vector.broadcast %reduce_max3A_204 : i1 to vector<16xi1>
      %reduce_max3A_206 = arith.constant -2147483648 : i32
      %reduce_max3A_207 = vector.broadcast %reduce_max3A_206 : i32 to vector<16xi32>
      %reduce_max3A_208 = arith.xori %parallel_loop3A_203, %reduce_max3A_207 : vector<16xi32>
      %reduce_max3A_209 = tpu.scan <max>, %reduce_max3A_208 masked %reduce_max3A_205 : vector<16xi32>, vector<16xi1> -> vector<16xi32>
      %reduce_max3A_210 = arith.xori %reduce_max3A_209, %reduce_max3A_207 : vector<16xi32>
      %reduce_max3A_211 = vector.extract %reduce_max3A_210[15] : i32 from vector<16xi32>
      %add3A_212 = arith.constant 15 : i32
      %add3A_213 = arith.addi %reduce_max3A_211, %add3A_212 : i32
      %jit3A_214 = arith.constant 16 : i32
      %div3A_215 = arith.divsi %add3A_213, %jit3A_214 : i32
      %sign3A_216 = arith.constant 0 : i32
      %sign3A_217 = arith.cmpi sgt, %add3A_213, %sign3A_216 : i32
      %sign3A_218 = arith.extui %sign3A_217 : i1 to i32
      %sign3A_219 = arith.constant 0 : i32
      %sign3A_220 = arith.cmpi slt, %add3A_213, %sign3A_219 : i32
      %sign3A_221 = arith.extui %sign3A_220 : i1 to i32
      %sign3A_222 = arith.subi %sign3A_218, %sign3A_221 : i32
      %sign3A_223 = arith.constant 0 : i32
      %sign3A_224 = arith.cmpi sgt, %jit3A_214, %sign3A_223 : i32
      %sign3A_225 = arith.extui %sign3A_224 : i1 to i32
      %sign3A_226 = arith.constant 0 : i32
      %sign3A_227 = arith.cmpi slt, %jit3A_214, %sign3A_226 : i32
      %sign3A_228 = arith.extui %sign3A_227 : i1 to i32
      %sign3A_229 = arith.subi %sign3A_225, %sign3A_228 : i32
      %ne3A_230 = arith.cmpi ne, %sign3A_222, %sign3A_229 : i32
      %rem3A_231 = arith.remsi %add3A_213, %jit3A_214 : i32
      %ne3A_232 = arith.constant 0 : i32
      %ne3A_233 = arith.cmpi ne, %rem3A_231, %ne3A_232 : i32
      %and3A_234 = arith.andi %ne3A_230, %ne3A_233 : i1
      %sub3A_235 = arith.constant 1 : i32
      %sub3A_236 = arith.subi %div3A_215, %sub3A_235 : i32
      %select_n3A_237 = arith.select %and3A_234, %sub3A_236, %div3A_215 : i32
      %scan3A_238 = arith.constant 0 : i32
      %scan3A_239 = arith.constant 0 : i32
      %scan3A_240 = arith.constant 32 : i32
      %scan3A_241 = arith.addi %scan3A_239, %scan3A_240 : i32
      %scan3A_242 = arith.constant 1 : i32
      scf.for %scan3A_303 = %scan3A_239 to %scan3A_241 step %scan3A_242  : i32 {
        %while3A = arith.constant 0 : i32
        %while3A_304 = arith.subi %select_n3A_237, %while3A : i32
        %while3A_305 = arith.addi %while3A, %while3A_304 : i32
        %while3A_306 = arith.constant 1 : i32
        %while3A_307 = arith.divsi %while3A_304, %while3A_306 : i32
        %while3A_308 = arith.muli %while3A_307, %while3A_306 : i32
        %while3A_309 = arith.addi %while3A, %while3A_308 : i32
        %while3A_310 = arith.constant 1 : i32
        %while3A_311:2 = scf.for %while3A_336 = %while3A to %while3A_309 step %while3A_310 iter_args(%while3A_337 = %broadcast_in_dim3A_19, %while3A_338 = %broadcast_in_dim3A_21) -> (vector<16xf32>, vector<16xi32>)  : i32 {
          %mul3A_339 = arith.constant 16 : i32
          %mul3A_340 = arith.muli %mul3A_339, %while3A_336 : i32
          %add3A_341 = vector.broadcast %mul3A_340 : i32 to vector<16xi32>
          %add3A_342 = arith.addi %iota3A, %add3A_341 : vector<16xi32>
          %lt3A = vector.broadcast %reduce_max3A_211 : i32 to vector<16xi32>
          %lt3A_343 = arith.cmpi slt, %add3A_342, %lt3A : vector<16xi32>
          %mul3A_344 = arith.constant 16 : i32
          %mul3A_345 = arith.muli %mul3A_344, %while3A_336 : i32
          %get3A_346 = arith.index_cast %mul3A_345 : i32 to index
          %get3A_347 = tpu.vector_load %arg8[%get3A_346] {strides = array<i32>} : memref<8208xf32, #tpu.memory_space<vmem>>, vector<16xf32>,
          %jit3A_348 = arith.constant 0x7F800000 : f32
          %broadcast_in_dim3A_349 = vector.broadcast %jit3A_348 : f32 to vector<16xf32>
          %select_n3A_350 = arith.select %lt3A_343, %get3A_347, %broadcast_in_dim3A_349 : vector<16xi1>, vector<16xf32>
          %mul3A_351 = arith.constant 16 : i32
          %mul3A_352 = arith.muli %mul3A_351, %while3A_336 : i32
          %get3A_353 = arith.index_cast %mul3A_352 : i32 to index
          %get3A_354 = tpu.vector_load %arg9[%get3A_353] {strides = array<i32>} : memref<8208xi32, #tpu.memory_space<vmem>>, vector<16xi32>,
          %mul3A_355 = arith.constant 16384 : i32
          %mul3A_356 = vector.broadcast %mul3A_355 : i32 to vector<16xi32>
          %mul3A_357 = arith.muli %get3A_354, %mul3A_356 : vector<16xi32>
          %add3A_358 = arith.addi %mul3A_357, %add3A_342 : vector<16xi32>
          %lt3A_359 = arith.cmpf olt, %select_n3A_350, %while3A_337 : vector<16xf32>
          %select_n3A_360 = arith.select %lt3A_359, %select_n3A_350, %while3A_337 : vector<16xi1>, vector<16xf32>
          %select_n3A_361 = arith.select %lt3A_359, %add3A_358, %while3A_338 : vector<16xi1>, vector<16xi32>
          scf.yield %select_n3A_360, %select_n3A_361 : vector<16xf32>, vector<16xi32>
        }
        %while3A_312 = arith.constant 1 : i32
        %while3A_313:2 = scf.for %while3A_336 = %while3A_309 to %while3A_305 step %while3A_312 iter_args(%while3A_337 = %while3A_311#0, %while3A_338 = %while3A_311#1) -> (vector<16xf32>, vector<16xi32>)  : i32 {
          %mul3A_339 = arith.constant 16 : i32
          %mul3A_340 = arith.muli %mul3A_339, %while3A_336 : i32
          %add3A_341 = vector.broadcast %mul3A_340 : i32 to vector<16xi32>
          %add3A_342 = arith.addi %iota3A, %add3A_341 : vector<16xi32>
          %lt3A = vector.broadcast %reduce_max3A_211 : i32 to vector<16xi32>
          %lt3A_343 = arith.cmpi slt, %add3A_342, %lt3A : vector<16xi32>
          %mul3A_344 = arith.constant 16 : i32
          %mul3A_345 = arith.muli %mul3A_344, %while3A_336 : i32
          %get3A_346 = arith.index_cast %mul3A_345 : i32 to index
          %get3A_347 = tpu.vector_load %arg8[%get3A_346] {strides = array<i32>} : memref<8208xf32, #tpu.memory_space<vmem>>, vector<16xf32>,
          %jit3A_348 = arith.constant 0x7F800000 : f32
          %broadcast_in_dim3A_349 = vector.broadcast %jit3A_348 : f32 to vector<16xf32>
          %select_n3A_350 = arith.select %lt3A_343, %get3A_347, %broadcast_in_dim3A_349 : vector<16xi1>, vector<16xf32>
          %mul3A_351 = arith.constant 16 : i32
          %mul3A_352 = arith.muli %mul3A_351, %while3A_336 : i32
          %get3A_353 = arith.index_cast %mul3A_352 : i32 to index
          %get3A_354 = tpu.vector_load %arg9[%get3A_353] {strides = array<i32>} : memref<8208xi32, #tpu.memory_space<vmem>>, vector<16xi32>,
          %mul3A_355 = arith.constant 16384 : i32
          %mul3A_356 = vector.broadcast %mul3A_355 : i32 to vector<16xi32>
          %mul3A_357 = arith.muli %get3A_354, %mul3A_356 : vector<16xi32>
          %add3A_358 = arith.addi %mul3A_357, %add3A_342 : vector<16xi32>
          %lt3A_359 = arith.cmpf olt, %select_n3A_350, %while3A_337 : vector<16xf32>
          %select_n3A_360 = arith.select %lt3A_359, %select_n3A_350, %while3A_337 : vector<16xi1>, vector<16xf32>
          %select_n3A_361 = arith.select %lt3A_359, %add3A_358, %while3A_338 : vector<16xi1>, vector<16xi32>
          scf.yield %select_n3A_360, %select_n3A_361 : vector<16xf32>, vector<16xi32>
        }
        %reduce_min3A = arith.constant true
        %reduce_min3A_314 = vector.broadcast %reduce_min3A : i1 to vector<16xi1>
        %reduce_min3A_315 = tpu.scan <min>, %while3A_313#0 masked %reduce_min3A_314 : vector<16xf32>, vector<16xi1> -> vector<16xf32>
        %reduce_min3A_316 = vector.extract %reduce_min3A_315[15] : f32 from vector<16xf32>
        %eq3A = vector.broadcast %reduce_min3A_316 : f32 to vector<16xf32>
        %eq3A_317 = arith.cmpf oeq, %while3A_313#0, %eq3A : vector<16xf32>
        %select_n3A_318 = arith.select %eq3A_317, %while3A_313#1, %broadcast_in_dim3A_21 : vector<16xi1>, vector<16xi32>
        %reduce_min3A_319 = arith.constant true
        %reduce_min3A_320 = vector.broadcast %reduce_min3A_319 : i1 to vector<16xi1>
        %reduce_min3A_321 = arith.constant -2147483648 : i32
        %reduce_min3A_322 = vector.broadcast %reduce_min3A_321 : i32 to vector<16xi32>
        %reduce_min3A_323 = arith.xori %select_n3A_318, %reduce_min3A_322 : vector<16xi32>
        %reduce_min3A_324 = tpu.scan <min>, %reduce_min3A_323 masked %reduce_min3A_320 : vector<16xi32>, vector<16xi1> -> vector<16xi32>
        %reduce_min3A_325 = arith.xori %reduce_min3A_324, %reduce_min3A_322 : vector<16xi32>
        %reduce_min3A_326 = vector.extract %reduce_min3A_325[15] : i32 from vector<16xi32>
        %shift_right_arithmetic3A = arith.constant 14 : i32
        %shift_right_arithmetic3A_327 = arith.shrsi %reduce_min3A_326, %shift_right_arithmetic3A : i32
        %and3A_328 = arith.constant 16383 : i32
        %and3A_329 = arith.andi %reduce_min3A_326, %and3A_328 : i32
        %eq3A_330 = arith.constant 0 : i32
        %eq3A_331 = vector.broadcast %eq3A_330 : i32 to vector<16xi32>
        %eq3A_332 = arith.cmpi eq, %iota3A, %eq3A_331 : vector<16xi32>
        %broadcast_in_dim3A_333 = vector.broadcast %and3A_329 : i32 to vector<16xi32>
        tpu.vector_store_idx %arg8[%broadcast_in_dim3A_333], %broadcast_in_dim3A_19 masked %eq3A_332 : memref<8208xf32, #tpu.memory_space<vmem>>[vector<16xi32>], vector<16xf32>, vector<16xi1>
        %broadcast_in_dim3A_334 = vector.broadcast %scan3A_303 : i32 to vector<16xi32>
        %broadcast_in_dim3A_335 = vector.broadcast %shift_right_arithmetic3A_327 : i32 to vector<16xi32>
        tpu.vector_store_idx %arg10[%broadcast_in_dim3A_334], %broadcast_in_dim3A_335 masked %eq3A_332 : memref<32xi32, #tpu.memory_space<vmem>>[vector<16xi32>], vector<16xi32>, vector<16xi1>
      }
      %scan3A_243 = arith.constant 32 : i32
      %broadcast_in_dim3A_244 = vector.broadcast %add3A_188 : i32 to vector<16xi32>
      %get3A_245 = arith.constant 0 : index
      %get3A_246 = tpu.vector_load %arg10[%get3A_245] {strides = array<i32>} : memref<32xi32, #tpu.memory_space<vmem>>, vector<16xi32>,
      %broadcast_in_dim3A_247 = arith.constant 0 : i32
      %broadcast_in_dim3A_248 = vector.broadcast %broadcast_in_dim3A_247 : i32 to vector<16xi32>
      %gather3A_249 = tpu.vector_load_idx %arg7[%broadcast_in_dim3A_248, %get3A_246] : memref<3x8192xf32, #tpu.memory_space<vmem>>[vector<16xi32>, vector<16xi32>], vector<16xf32>,
      %mul3A_250 = arith.constant 3 : i32
      %mul3A_251 = vector.broadcast %mul3A_250 : i32 to vector<16xi32>
      %mul3A_252 = arith.muli %iota3A, %mul3A_251 : vector<16xi32>
      %add3A_253 = arith.constant 0 : i32
      %add3A_254 = vector.broadcast %add3A_253 : i32 to vector<16xi32>
      %add3A_255 = arith.addi %mul3A_252, %add3A_254 : vector<16xi32>
      tpu.vector_store_idx %arg11[%broadcast_in_dim3A_244, %add3A_255], %gather3A_249 : memref<32x96xf32, #tpu.memory_space<vmem>>[vector<16xi32>, vector<16xi32>], vector<16xf32>,
      %broadcast_in_dim3A_256 = arith.constant 1 : i32
      %broadcast_in_dim3A_257 = vector.broadcast %broadcast_in_dim3A_256 : i32 to vector<16xi32>
      %gather3A_258 = tpu.vector_load_idx %arg7[%broadcast_in_dim3A_257, %get3A_246] : memref<3x8192xf32, #tpu.memory_space<vmem>>[vector<16xi32>, vector<16xi32>], vector<16xf32>,
      %mul3A_259 = arith.constant 3 : i32
      %mul3A_260 = vector.broadcast %mul3A_259 : i32 to vector<16xi32>
      %mul3A_261 = arith.muli %iota3A, %mul3A_260 : vector<16xi32>
      %add3A_262 = arith.constant 1 : i32
      %add3A_263 = vector.broadcast %add3A_262 : i32 to vector<16xi32>
      %add3A_264 = arith.addi %mul3A_261, %add3A_263 : vector<16xi32>
      tpu.vector_store_idx %arg11[%broadcast_in_dim3A_244, %add3A_264], %gather3A_258 : memref<32x96xf32, #tpu.memory_space<vmem>>[vector<16xi32>, vector<16xi32>], vector<16xf32>,
      %broadcast_in_dim3A_265 = arith.constant 2 : i32
      %broadcast_in_dim3A_266 = vector.broadcast %broadcast_in_dim3A_265 : i32 to vector<16xi32>
      %gather3A_267 = tpu.vector_load_idx %arg7[%broadcast_in_dim3A_266, %get3A_246] : memref<3x8192xf32, #tpu.memory_space<vmem>>[vector<16xi32>, vector<16xi32>], vector<16xf32>,
      %mul3A_268 = arith.constant 3 : i32
      %mul3A_269 = vector.broadcast %mul3A_268 : i32 to vector<16xi32>
      %mul3A_270 = arith.muli %iota3A, %mul3A_269 : vector<16xi32>
      %add3A_271 = arith.constant 2 : i32
      %add3A_272 = vector.broadcast %add3A_271 : i32 to vector<16xi32>
      %add3A_273 = arith.addi %mul3A_270, %add3A_272 : vector<16xi32>
      tpu.vector_store_idx %arg11[%broadcast_in_dim3A_244, %add3A_273], %gather3A_267 : memref<32x96xf32, #tpu.memory_space<vmem>>[vector<16xi32>, vector<16xi32>], vector<16xf32>,
      %get3A_274 = arith.constant 16 : index
      %get3A_275 = tpu.vector_load %arg10[%get3A_274] {strides = array<i32>} : memref<32xi32, #tpu.memory_space<vmem>>, vector<16xi32>,
      %broadcast_in_dim3A_276 = arith.constant 0 : i32
      %broadcast_in_dim3A_277 = vector.broadcast %broadcast_in_dim3A_276 : i32 to vector<16xi32>
      %gather3A_278 = tpu.vector_load_idx %arg7[%broadcast_in_dim3A_277, %get3A_275] : memref<3x8192xf32, #tpu.memory_space<vmem>>[vector<16xi32>, vector<16xi32>], vector<16xf32>,
      %mul3A_279 = arith.constant 3 : i32
      %mul3A_280 = vector.broadcast %mul3A_279 : i32 to vector<16xi32>
      %mul3A_281 = arith.muli %iota3A, %mul3A_280 : vector<16xi32>
      %add3A_282 = arith.constant 48 : i32
      %add3A_283 = vector.broadcast %add3A_282 : i32 to vector<16xi32>
      %add3A_284 = arith.addi %mul3A_281, %add3A_283 : vector<16xi32>
      tpu.vector_store_idx %arg11[%broadcast_in_dim3A_244, %add3A_284], %gather3A_278 : memref<32x96xf32, #tpu.memory_space<vmem>>[vector<16xi32>, vector<16xi32>], vector<16xf32>,
      %broadcast_in_dim3A_285 = arith.constant 1 : i32
      %broadcast_in_dim3A_286 = vector.broadcast %broadcast_in_dim3A_285 : i32 to vector<16xi32>
      %gather3A_287 = tpu.vector_load_idx %arg7[%broadcast_in_dim3A_286, %get3A_275] : memref<3x8192xf32, #tpu.memory_space<vmem>>[vector<16xi32>, vector<16xi32>], vector<16xf32>,
      %mul3A_288 = arith.constant 3 : i32
      %mul3A_289 = vector.broadcast %mul3A_288 : i32 to vector<16xi32>
      %mul3A_290 = arith.muli %iota3A, %mul3A_289 : vector<16xi32>
      %add3A_291 = arith.constant 49 : i32
      %add3A_292 = vector.broadcast %add3A_291 : i32 to vector<16xi32>
      %add3A_293 = arith.addi %mul3A_290, %add3A_292 : vector<16xi32>
      tpu.vector_store_idx %arg11[%broadcast_in_dim3A_244, %add3A_293], %gather3A_287 : memref<32x96xf32, #tpu.memory_space<vmem>>[vector<16xi32>, vector<16xi32>], vector<16xf32>,
      %broadcast_in_dim3A_294 = arith.constant 2 : i32
      %broadcast_in_dim3A_295 = vector.broadcast %broadcast_in_dim3A_294 : i32 to vector<16xi32>
      %gather3A_296 = tpu.vector_load_idx %arg7[%broadcast_in_dim3A_295, %get3A_275] : memref<3x8192xf32, #tpu.memory_space<vmem>>[vector<16xi32>, vector<16xi32>], vector<16xf32>,
      %mul3A_297 = arith.constant 3 : i32
      %mul3A_298 = vector.broadcast %mul3A_297 : i32 to vector<16xi32>
      %mul3A_299 = arith.muli %iota3A, %mul3A_298 : vector<16xi32>
      %add3A_300 = arith.constant 50 : i32
      %add3A_301 = vector.broadcast %add3A_300 : i32 to vector<16xi32>
      %add3A_302 = arith.addi %mul3A_299, %add3A_301 : vector<16xi32>
      tpu.vector_store_idx %arg11[%broadcast_in_dim3A_244, %add3A_302], %gather3A_296 : memref<32x96xf32, #tpu.memory_space<vmem>>[vector<16xi32>, vector<16xi32>], vector<16xf32>,
    }
    %scan3A_35 = arith.constant 16 : i32
    %dma_wait3A = arith.constant 0 : i32
    %dma_wait3A_36 = tpu.memref_slice %arg2[%mul3A_2, %dma_wait3A] : memref<1024x8192xf32, #tpu.memory_space<hbm>> -> memref<1x8192xf32, #tpu.memory_space<hbm>>
    %dma_wait3A_37 = tpu.memref_squeeze %dma_wait3A_36 : memref<1x8192xf32, #tpu.memory_space<hbm>> -> memref<8192xf32, #tpu.memory_space<hbm>>
    %dma_wait3A_38 = arith.constant 0 : i32
    %dma_wait3A_39 = tpu.memref_slice %arg2[%mul3A_2, %dma_wait3A_38] : memref<1024x8192xf32, #tpu.memory_space<hbm>> -> memref<1x8192xf32, #tpu.memory_space<hbm>>
    %dma_wait3A_40 = tpu.memref_squeeze %dma_wait3A_39 : memref<1x8192xf32, #tpu.memory_space<hbm>> -> memref<8192xf32, #tpu.memory_space<hbm>>
    tpu.wait_dma2 semaphore(%arg12 : memref<!tpu.dma_semaphore, #tpu.memory_space<semaphore_mem>>) src(%dma_wait3A_40 : memref<8192xf32, #tpu.memory_space<hbm>>) dst(%arg5 : memref<8192xf32, #tpu.memory_space<vmem>>)
    "tpu.region"() ({
      %run_scoped3A = tpu.sem_alloc : memref<!tpu.dma_semaphore, #tpu.memory_space<semaphore_mem>>
      %dma_start3A_41 = arith.constant 0 : i32
      %dma_start3A_42 = tpu.memref_slice %arg4[%mul3A_2, %dma_start3A_41] : memref<1024x96xf32, #tpu.memory_space<hbm>> -> memref<32x96xf32, #tpu.memory_space<hbm>>
      %dma_start3A_43 = arith.constant 0 : i32
      %dma_start3A_44 = tpu.memref_slice %arg4[%mul3A_2, %dma_start3A_43] : memref<1024x96xf32, #tpu.memory_space<hbm>> -> memref<32x96xf32, #tpu.memory_space<hbm>>
      tpu.enqueue_dma source(%arg11 : memref<32x96xf32, #tpu.memory_space<vmem>>) target(%dma_start3A_44 : memref<32x96xf32, #tpu.memory_space<hbm>>) target_semaphore(%run_scoped3A : memref<!tpu.dma_semaphore, #tpu.memory_space<semaphore_mem>>)
      %dma_wait3A_45 = arith.constant 0 : i32
      %dma_wait3A_46 = tpu.memref_slice %arg4[%mul3A_2, %dma_wait3A_45] : memref<1024x96xf32, #tpu.memory_space<hbm>> -> memref<32x96xf32, #tpu.memory_space<hbm>>
      %dma_wait3A_47 = arith.constant 0 : i32
      %dma_wait3A_48 = tpu.memref_slice %arg4[%mul3A_2, %dma_wait3A_47] : memref<1024x96xf32, #tpu.memory_space<hbm>> -> memref<32x96xf32, #tpu.memory_space<hbm>>
      tpu.wait_dma2 semaphore(%run_scoped3A : memref<!tpu.dma_semaphore, #tpu.memory_space<semaphore_mem>>) src(%arg11 : memref<32x96xf32, #tpu.memory_space<vmem>>) dst(%dma_wait3A_48 : memref<32x96xf32, #tpu.memory_space<hbm>>)
      tpu.yield
    }) : () -> ()
    return
  }
}

module attributes {stable_mosaic.version = 14 : i64} {
  func.func @_score_kernel(%arg0: i32, %arg1: memref<1x256x3xf32, #tpu.memory_space<vmem>>, %arg2: memref<1x3x8192xf32, #tpu.memory_space<vmem>>, %arg3: memref<1x256x8192xf32, #tpu.memory_space<vmem>>) attributes {dimension_semantics = [#tpu.dimension_semantics<arbitrary>], iteration_bounds = array<i64: 4>, scalar_prefetch = 0 : i64, scratch_operands = 0 : i64, tpu.core_type = #tpu.core_type<tc>, window_params = [{transform_indices = @transform_0, window_bounds = array<i64: 1, 256, 3>}, {transform_indices = @transform_1, window_bounds = array<i64: 1, 3, 8192>}, {transform_indices = @transform_2, window_bounds = array<i64: 1, 256, 8192>}]} {
    %get3A = arith.constant 0 : index
    %get3A_0 = arith.constant 0 : index
    %get3A_1 = arith.constant 0 : index
    %get3A_2 = vector.load %arg1[%get3A, %get3A_0, %get3A_1] : memref<1x256x3xf32, #tpu.memory_space<vmem>>, vector<1x256x3xf32>
    %get3A_3 = vector.shape_cast %get3A_2 : vector<1x256x3xf32> to vector<256x3xf32>
    %get3A_4 = arith.constant 0 : index
    %get3A_5 = arith.constant 0 : index
    %get3A_6 = arith.constant 0 : index
    %get3A_7 = vector.load %arg2[%get3A_4, %get3A_5, %get3A_6] : memref<1x3x8192xf32, #tpu.memory_space<vmem>>, vector<1x3x8192xf32>
    %get3A_8 = vector.shape_cast %get3A_7 : vector<1x3x8192xf32> to vector<3x8192xf32>
    %mul3A = arith.mulf %get3A_8, %get3A_8 : vector<3x8192xf32>
    %reduce_sum3A = arith.constant dense<0.000000e+00> : vector<8192xf32>
    %reduce_sum3A_9 = vector.multi_reduction <add>, %mul3A, %reduce_sum3A [0] : vector<3x8192xf32> to vector<8192xf32>
    %broadcast_in_dim3A = vector.shape_cast %reduce_sum3A_9 : vector<8192xf32> to vector<1x8192xf32>
    %dot_general3A = arith.constant dense<0.000000e+00> : vector<256x8192xf32>
    %dot_general3A_10 = tpu.matmul %get3A_3, %get3A_8, %dot_general3A {dimension_numbers = #tpu.dot_dimension_numbers<[1], [0], [0], [1], [0, 0, 1, 1], [], []>, precision = #tpu.contract_precision<fp32>, transpose_lhs_hint = false} : vector<256x3xf32>, vector<3x8192xf32>, vector<256x8192xf32> -> vector<256x8192xf32>
    %mul3A_11 = arith.constant 2.000000e+00 : f32
    %mul3A_12 = vector.broadcast %mul3A_11 : f32 to vector<256x8192xf32>
    %mul3A_13 = arith.mulf %mul3A_12, %dot_general3A_10 : vector<256x8192xf32>
    %sub3A = vector.broadcast %broadcast_in_dim3A : vector<1x8192xf32> to vector<256x8192xf32>
    %sub3A_14 = arith.subf %sub3A, %mul3A_13 : vector<256x8192xf32>
    %swap3A = arith.constant 0 : index
    %swap3A_15 = arith.constant 0 : index
    %swap3A_16 = arith.constant 0 : index
    %swap3A_17 = vector.load %arg3[%swap3A, %swap3A_15, %swap3A_16] : memref<1x256x8192xf32, #tpu.memory_space<vmem>>, vector<1x256x8192xf32>
    %swap3A_18 = vector.shape_cast %swap3A_17 : vector<1x256x8192xf32> to vector<256x8192xf32>
    %swap3A_19 = vector.shape_cast %sub3A_14 : vector<256x8192xf32> to vector<1x256x8192xf32>
    tpu.vector_store %arg3[%swap3A, %swap3A_15, %swap3A_16], %swap3A_19 {strides = array<i32>} : memref<1x256x8192xf32, #tpu.memory_space<vmem>>, vector<1x256x8192xf32>,
    return
  }
  func.func @transform_0(%arg0: i32) -> (i32, i32, i32) {
    %c0_i32 = arith.constant 0 : i32
    %c0_i32_0 = arith.constant 0 : i32
    %c0_i32_1 = arith.constant 0 : i32
    return %arg0, %c0_i32, %c0_i32_0 : i32, i32, i32
  }
  func.func @transform_1(%arg0: i32) -> (i32, i32, i32) {
    %c0_i32 = arith.constant 0 : i32
    %c0_i32_0 = arith.constant 0 : i32
    %c0_i32_1 = arith.constant 0 : i32
    return %arg0, %c0_i32, %c0_i32_0 : i32, i32, i32
  }
  func.func @transform_2(%arg0: i32) -> (i32, i32, i32) {
    %c0_i32 = arith.constant 0 : i32
    %c0_i32_0 = arith.constant 0 : i32
    %c0_i32_1 = arith.constant 0 : i32
    return %arg0, %c0_i32, %c0_i32_0 : i32, i32, i32
  }
}

module attributes {stable_mosaic.version = 14 : i64} {
  func.func @_pass_a(%arg0: i32, %arg1: memref<8192x3xf32, #tpu.memory_space<vmem>>, %arg2: memref<8192x3xf32, #tpu.memory_space<vmem>>, %arg3: memref<16x128xf32, #tpu.memory_space<vmem>>, %arg4: memref<1x128xf32, #tpu.memory_space<vmem>>, %arg5: memref<8192x16xf32, #tpu.memory_space<vmem>>, %arg6: memref<2x128xf32, #tpu.memory_space<vmem>>) attributes {dimension_semantics = [#tpu.dimension_semantics<arbitrary>], iteration_bounds = array<i64: 4>, scalar_prefetch = 0 : i64, scratch_operands = 0 : i64, tpu.core_type = #tpu.core_type<tc>, window_params = [{transform_indices = @transform_0, window_bounds = array<i64: 8192, 3>}, {transform_indices = @transform_1, window_bounds = array<i64: 8192, 3>}, {pipeline_mode = #tpu.pipeline_mode<synchronous>, transform_indices = @transform_2, window_bounds = array<i64: 16, 128>}, {pipeline_mode = #tpu.pipeline_mode<synchronous>, transform_indices = @transform_3, window_bounds = array<i64: 1, 128>}, {transform_indices = @transform_4, window_bounds = array<i64: 8192, 16>}, {pipeline_mode = #tpu.pipeline_mode<synchronous>, transform_indices = @transform_5, window_bounds = array<i64: 2, 128>}]} {
    %get3A = arith.constant 0 : index
    %get3A_0 = arith.constant 0 : index
    %get3A_1 = vector.load %arg1[%get3A, %get3A_0] : memref<8192x3xf32, #tpu.memory_space<vmem>>, vector<8192x3xf32>
    %get3A_2 = arith.constant 0 : index
    %get3A_3 = arith.constant 0 : index
    %get3A_4 = vector.load %arg2[%get3A_2, %get3A_3] : memref<8192x3xf32, #tpu.memory_space<vmem>>, vector<8192x3xf32>
    %sub3A = arith.subf %get3A_4, %get3A_1 : vector<8192x3xf32>
    %mul3A = arith.mulf %sub3A, %sub3A : vector<8192x3xf32>
    %reduce_sum3A = arith.constant dense<0.000000e+00> : vector<8192xf32>
    %reduce_sum3A_5 = vector.multi_reduction <add>, %mul3A, %reduce_sum3A [1] : vector<8192x3xf32> to vector<8192xf32>
    %broadcast_in_dim3A = vector.shape_cast %reduce_sum3A_5 : vector<8192xf32> to vector<8192x1xf32>
    %add3A = arith.constant 9.99999996E-13 : f32
    %add3A_6 = vector.broadcast %add3A : f32 to vector<8192x1xf32>
    %add3A_7 = arith.addf %broadcast_in_dim3A, %add3A_6 : vector<8192x1xf32>
    %sqrt3A = math.sqrt %add3A_7 : vector<8192x1xf32>
    %broadcast_in_dim3A_8 = arith.constant 0.000000e+00 : f32
    %broadcast_in_dim3A_9 = vector.broadcast %broadcast_in_dim3A_8 : f32 to vector<8192x6xf32>
    %concatenate3A = tpu.concatenate %sqrt3A, %sub3A, %get3A_4, %get3A_1, %broadcast_in_dim3A_9 in 1 : vector<8192x1xf32>, vector<8192x3xf32>, vector<8192x3xf32>, vector<8192x3xf32>, vector<8192x6xf32> -> vector<8192x16xf32>
    %swap3A = arith.constant 0 : index
    %swap3A_10 = arith.constant 0 : index
    %swap3A_11 = vector.load %arg5[%swap3A, %swap3A_10] : memref<8192x16xf32, #tpu.memory_space<vmem>>, vector<8192x16xf32>
    tpu.vector_store %arg5[%swap3A, %swap3A_10], %concatenate3A {strides = array<i32>} : memref<8192x16xf32, #tpu.memory_space<vmem>>, vector<8192x16xf32>,
    %get3A_12 = arith.constant 0 : index
    %get3A_13 = arith.constant 0 : index
    %get3A_14 = vector.load %arg3[%get3A_12, %get3A_13] : memref<16x128xf32, #tpu.memory_space<vmem>>, vector<16x128xf32>
    %dot_general3A = arith.constant dense<0.000000e+00> : vector<8192x128xf32>
    %dot_general3A_15 = tpu.matmul %concatenate3A, %get3A_14, %dot_general3A {dimension_numbers = #tpu.dot_dimension_numbers<[1], [0], [0], [1], [0, 0, 1, 1], [], []>, transpose_lhs_hint = false} : vector<8192x16xf32>, vector<16x128xf32>, vector<8192x128xf32> -> vector<8192x128xf32>
    %get3A_16 = arith.constant 0 : index
    %get3A_17 = arith.constant 0 : index
    %get3A_18 = vector.load %arg4[%get3A_16, %get3A_17] : memref<1x128xf32, #tpu.memory_space<vmem>>, vector<1x128xf32>
    %add3A_19 = vector.broadcast %get3A_18 : vector<1x128xf32> to vector<8192x128xf32>
    %add3A_20 = arith.addf %dot_general3A_15, %add3A_19 : vector<8192x128xf32>
    %reduce_sum3A_21 = arith.constant dense<0.000000e+00> : vector<128xf32>
    %reduce_sum3A_22 = vector.multi_reduction <add>, %add3A_20, %reduce_sum3A_21 [0] : vector<8192x128xf32> to vector<128xf32>
    %broadcast_in_dim3A_23 = vector.shape_cast %reduce_sum3A_22 : vector<128xf32> to vector<1x128xf32>
    %mul3A_24 = arith.mulf %add3A_20, %add3A_20 : vector<8192x128xf32>
    %reduce_sum3A_25 = arith.constant dense<0.000000e+00> : vector<128xf32>
    %reduce_sum3A_26 = vector.multi_reduction <add>, %mul3A_24, %reduce_sum3A_25 [0] : vector<8192x128xf32> to vector<128xf32>
    %broadcast_in_dim3A_27 = vector.shape_cast %reduce_sum3A_26 : vector<128xf32> to vector<1x128xf32>
    %eq3A = arith.constant 0 : i32
    %eq3A_28 = arith.cmpi eq, %arg0, %eq3A : i32
    %convert_element_type3A = arith.extui %eq3A_28 : i1 to i32
    %cond3A = arith.constant 0 : i32
    %cond3A_29 = arith.cmpi ne, %convert_element_type3A, %cond3A : i32
    scf.if %cond3A_29 {
      %broadcast_in_dim3A_38 = arith.constant 0.000000e+00 : f32
      %broadcast_in_dim3A_39 = vector.broadcast %broadcast_in_dim3A_38 : f32 to vector<2x128xf32>
      %swap3A_40 = arith.constant 0 : index
      %swap3A_41 = arith.constant 0 : index
      %swap3A_42 = vector.load %arg6[%swap3A_40, %swap3A_41] : memref<2x128xf32, #tpu.memory_space<vmem>>, vector<2x128xf32>
      tpu.vector_store %arg6[%swap3A_40, %swap3A_41], %broadcast_in_dim3A_39 {strides = array<i32>} : memref<2x128xf32, #tpu.memory_space<vmem>>, vector<2x128xf32>,
    } else {
    }
    %get3A_30 = arith.constant 0 : index
    %get3A_31 = arith.constant 0 : index
    %get3A_32 = vector.load %arg6[%get3A_30, %get3A_31] : memref<2x128xf32, #tpu.memory_space<vmem>>, vector<2x128xf32>
    %concatenate3A_33 = tpu.concatenate %broadcast_in_dim3A_23, %broadcast_in_dim3A_27 in 0 : vector<1x128xf32>, vector<1x128xf32> -> vector<2x128xf32>
    %add3A_34 = arith.addf %get3A_32, %concatenate3A_33 : vector<2x128xf32>
    %swap3A_35 = arith.constant 0 : index
    %swap3A_36 = arith.constant 0 : index
    %swap3A_37 = vector.load %arg6[%swap3A_35, %swap3A_36] : memref<2x128xf32, #tpu.memory_space<vmem>>, vector<2x128xf32>
    tpu.vector_store %arg6[%swap3A_35, %swap3A_36], %add3A_34 {strides = array<i32>} : memref<2x128xf32, #tpu.memory_space<vmem>>, vector<2x128xf32>,
    return
  }
  func.func @transform_0(%arg0: i32) -> (i32, i32) {
    %c0_i32 = arith.constant 0 : i32
    %c0_i32_0 = arith.constant 0 : i32
    return %arg0, %c0_i32 : i32, i32
  }
  func.func @transform_1(%arg0: i32) -> (i32, i32) {
    %c0_i32 = arith.constant 0 : i32
    %c0_i32_0 = arith.constant 0 : i32
    return %arg0, %c0_i32 : i32, i32
  }
  func.func @transform_2(%arg0: i32) -> (i32, i32) {
    %c0_i32 = arith.constant 0 : i32
    %c0_i32_0 = arith.constant 0 : i32
    %c0_i32_1 = arith.constant 0 : i32
    return %c0_i32, %c0_i32_0 : i32, i32
  }
  func.func @transform_3(%arg0: i32) -> (i32, i32) {
    %c0_i32 = arith.constant 0 : i32
    %c0_i32_0 = arith.constant 0 : i32
    %c0_i32_1 = arith.constant 0 : i32
    return %c0_i32, %c0_i32_0 : i32, i32
  }
  func.func @transform_4(%arg0: i32) -> (i32, i32) {
    %c0_i32 = arith.constant 0 : i32
    %c0_i32_0 = arith.constant 0 : i32
    return %arg0, %c0_i32 : i32, i32
  }
  func.func @transform_5(%arg0: i32) -> (i32, i32) {
    %c0_i32 = arith.constant 0 : i32
    %c0_i32_0 = arith.constant 0 : i32
    %c0_i32_1 = arith.constant 0 : i32
    return %c0_i32, %c0_i32_0 : i32, i32
  }
}

module attributes {stable_mosaic.version = 14 : i64} {
  func.func @_pass_b(%arg0: i32, %arg1: memref<2048x16xf32, #tpu.memory_space<vmem>>, %arg2: memref<16x128xf32, #tpu.memory_space<vmem>>, %arg3: memref<1x128xf32, #tpu.memory_space<vmem>>, %arg4: memref<128x256xf32, #tpu.memory_space<vmem>>, %arg5: memref<1x256xf32, #tpu.memory_space<vmem>>, %arg6: memref<256x1xf32, #tpu.memory_space<vmem>>, %arg7: memref<1x1xf32, #tpu.memory_space<vmem>>, %arg8: memref<256x256xf32, #tpu.memory_space<vmem>>, %arg9: memref<1x256xf32, #tpu.memory_space<vmem>>, %arg10: memref<512x512xf32, #tpu.memory_space<vmem>>, %arg11: memref<1x512xf32, #tpu.memory_space<vmem>>, %arg12: memref<2048x512xf32, #tpu.memory_space<vmem>>, %arg13: memref<2x512xf32, #tpu.memory_space<vmem>>) attributes {dimension_semantics = [#tpu.dimension_semantics<arbitrary>], iteration_bounds = array<i64: 16>, scalar_prefetch = 0 : i64, scratch_operands = 0 : i64, tpu.core_type = #tpu.core_type<tc>, window_params = [{transform_indices = @transform_0, window_bounds = array<i64: 2048, 16>}, {pipeline_mode = #tpu.pipeline_mode<synchronous>, transform_indices = @transform_1, window_bounds = array<i64: 16, 128>}, {pipeline_mode = #tpu.pipeline_mode<synchronous>, transform_indices = @transform_2, window_bounds = array<i64: 1, 128>}, {pipeline_mode = #tpu.pipeline_mode<synchronous>, transform_indices = @transform_3, window_bounds = array<i64: 128, 256>}, {pipeline_mode = #tpu.pipeline_mode<synchronous>, transform_indices = @transform_4, window_bounds = array<i64: 1, 256>}, {pipeline_mode = #tpu.pipeline_mode<synchronous>, transform_indices = @transform_5, window_bounds = array<i64: 256, 1>}, {pipeline_mode = #tpu.pipeline_mode<synchronous>, transform_indices = @transform_6, window_bounds = array<i64: 1, 1>}, {pipeline_mode = #tpu.pipeline_mode<synchronous>, transform_indices = @transform_7, window_bounds = array<i64: 256, 256>}, {pipeline_mode = #tpu.pipeline_mode<synchronous>, transform_indices = @transform_8, window_bounds = array<i64: 1, 256>}, {pipeline_mode = #tpu.pipeline_mode<synchronous>, transform_indices = @transform_9, window_bounds = array<i64: 512, 512>}, {pipeline_mode = #tpu.pipeline_mode<synchronous>, transform_indices = @transform_10, window_bounds = array<i64: 1, 512>}, {transform_indices = @transform_11, window_bounds = array<i64: 2048, 512>}, {pipeline_mode = #tpu.pipeline_mode<synchronous>, transform_indices = @transform_12, window_bounds = array<i64: 2, 512>}]} {
    %get3A = arith.constant 0 : index
    %get3A_0 = arith.constant 0 : index
    %get3A_1 = vector.load %arg1[%get3A, %get3A_0] : memref<2048x16xf32, #tpu.memory_space<vmem>>, vector<2048x16xf32>
    %get3A_2 = arith.constant 0 : index
    %get3A_3 = arith.constant 0 : index
    %get3A_4 = vector.load %arg2[%get3A_2, %get3A_3] : memref<16x128xf32, #tpu.memory_space<vmem>>, vector<16x128xf32>
    %dot_general3A = arith.constant dense<0.000000e+00> : vector<2048x128xf32>
    %dot_general3A_5 = tpu.matmul %get3A_1, %get3A_4, %dot_general3A {dimension_numbers = #tpu.dot_dimension_numbers<[1], [0], [0], [1], [0, 0, 1, 1], [], []>, transpose_lhs_hint = false} : vector<2048x16xf32>, vector<16x128xf32>, vector<2048x128xf32> -> vector<2048x128xf32>
    %get3A_6 = arith.constant 0 : index
    %get3A_7 = arith.constant 0 : index
    %get3A_8 = vector.load %arg3[%get3A_6, %get3A_7] : memref<1x128xf32, #tpu.memory_space<vmem>>, vector<1x128xf32>
    %add3A = vector.broadcast %get3A_8 : vector<1x128xf32> to vector<2048x128xf32>
    %add3A_9 = arith.addf %dot_general3A_5, %add3A : vector<2048x128xf32>
    %max3A = arith.constant 0.000000e+00 : f32
    %max3A_10 = vector.broadcast %max3A : f32 to vector<2048x128xf32>
    %max3A_11 = arith.maximumf %add3A_9, %max3A_10 : vector<2048x128xf32>
    %get3A_12 = arith.constant 0 : index
    %get3A_13 = arith.constant 0 : index
    %get3A_14 = vector.load %arg4[%get3A_12, %get3A_13] : memref<128x256xf32, #tpu.memory_space<vmem>>, vector<128x256xf32>
    %dot_general3A_15 = arith.constant dense<0.000000e+00> : vector<2048x256xf32>
    %dot_general3A_16 = tpu.matmul %max3A_11, %get3A_14, %dot_general3A_15 {dimension_numbers = #tpu.dot_dimension_numbers<[1], [0], [0], [1], [0, 0, 1, 1], [], []>, transpose_lhs_hint = false} : vector<2048x128xf32>, vector<128x256xf32>, vector<2048x256xf32> -> vector<2048x256xf32>
    %get3A_17 = arith.constant 0 : index
    %get3A_18 = arith.constant 0 : index
    %get3A_19 = vector.load %arg5[%get3A_17, %get3A_18] : memref<1x256xf32, #tpu.memory_space<vmem>>, vector<1x256xf32>
    %add3A_20 = vector.broadcast %get3A_19 : vector<1x256xf32> to vector<2048x256xf32>
    %add3A_21 = arith.addf %dot_general3A_16, %add3A_20 : vector<2048x256xf32>
    %get3A_22 = arith.constant 0 : index
    %get3A_23 = arith.constant 0 : index
    %get3A_24 = vector.load %arg6[%get3A_22, %get3A_23] : memref<256x1xf32, #tpu.memory_space<vmem>>, vector<256x1xf32>
    %dot_general3A_25 = arith.constant dense<0.000000e+00> : vector<2048x1xf32>
    %dot_general3A_26 = tpu.matmul %add3A_21, %get3A_24, %dot_general3A_25 {dimension_numbers = #tpu.dot_dimension_numbers<[1], [0], [0], [1], [0, 0, 1, 1], [], []>, transpose_lhs_hint = false} : vector<2048x256xf32>, vector<256x1xf32>, vector<2048x1xf32> -> vector<2048x1xf32>
    %get3A_27 = arith.constant 0 : index
    %get3A_28 = arith.constant 0 : index
    %get3A_29 = vector.load %arg7[%get3A_27, %get3A_28] : memref<1x1xf32, #tpu.memory_space<vmem>>, vector<1x1xf32>
    %add3A_30 = vector.broadcast %get3A_29 : vector<1x1xf32> to vector<2048x1xf32>
    %add3A_31 = arith.addf %dot_general3A_26, %add3A_30 : vector<2048x1xf32>
    %reshape3A = vector.shape_cast %add3A_31 : vector<2048x1xf32> to vector<64x32x1xf32>
    %reduce_max3A = arith.constant dense<0xFF800000> : vector<64x1xf32>
    %reduce_max3A_32 = vector.multi_reduction <maximumf>, %reshape3A, %reduce_max3A [1] : vector<64x32x1xf32> to vector<64x1xf32>
    %broadcast_in_dim3A = vector.shape_cast %reduce_max3A_32 : vector<64x1xf32> to vector<64x1x1xf32>
    %sub3A = vector.broadcast %broadcast_in_dim3A : vector<64x1x1xf32> to vector<64x32x1xf32>
    %sub3A_33 = arith.subf %reshape3A, %sub3A : vector<64x32x1xf32>
    %exp3A = math.exp %sub3A_33 : vector<64x32x1xf32>
    %reduce_sum3A = arith.constant dense<0.000000e+00> : vector<64x1xf32>
    %reduce_sum3A_34 = vector.multi_reduction <add>, %exp3A, %reduce_sum3A [1] : vector<64x32x1xf32> to vector<64x1xf32>
    %broadcast_in_dim3A_35 = vector.shape_cast %reduce_sum3A_34 : vector<64x1xf32> to vector<64x1x1xf32>
    %div3A = vector.broadcast %broadcast_in_dim3A_35 : vector<64x1x1xf32> to vector<64x32x1xf32>
    %div3A_36 = arith.divf %exp3A, %div3A : vector<64x32x1xf32>
    %reshape3A_37 = vector.shape_cast %add3A_21 : vector<2048x256xf32> to vector<64x32x256xf32>
    %mul3A = vector.broadcast %div3A_36 : vector<64x32x1xf32> to vector<64x32x256xf32>
    %mul3A_38 = arith.mulf %mul3A, %reshape3A_37 : vector<64x32x256xf32>
    %reduce_sum3A_39 = arith.constant dense<0.000000e+00> : vector<64x256xf32>
    %reduce_sum3A_40 = vector.multi_reduction <add>, %mul3A_38, %reduce_sum3A_39 [1] : vector<64x32x256xf32> to vector<64x256xf32>
    %get3A_41 = arith.constant 0 : index
    %get3A_42 = arith.constant 0 : index
    %get3A_43 = vector.load %arg8[%get3A_41, %get3A_42] : memref<256x256xf32, #tpu.memory_space<vmem>>, vector<256x256xf32>
    %dot_general3A_44 = arith.constant dense<0.000000e+00> : vector<64x256xf32>
    %dot_general3A_45 = tpu.matmul %reduce_sum3A_40, %get3A_43, %dot_general3A_44 {dimension_numbers = #tpu.dot_dimension_numbers<[1], [0], [0], [1], [0, 0, 1, 1], [], []>, transpose_lhs_hint = false} : vector<64x256xf32>, vector<256x256xf32>, vector<64x256xf32> -> vector<64x256xf32>
    %get3A_46 = arith.constant 0 : index
    %get3A_47 = arith.constant 0 : index
    %get3A_48 = vector.load %arg9[%get3A_46, %get3A_47] : memref<1x256xf32, #tpu.memory_space<vmem>>, vector<1x256xf32>
    %add3A_49 = vector.broadcast %get3A_48 : vector<1x256xf32> to vector<64x256xf32>
    %add3A_50 = arith.addf %dot_general3A_45, %add3A_49 : vector<64x256xf32>
    %broadcast_in_dim3A_51 = vector.shape_cast %add3A_50 : vector<64x256xf32> to vector<64x1x256xf32>
    %broadcast_in_dim3A_52 = vector.shape_cast %broadcast_in_dim3A_51 : vector<64x1x256xf32> to vector<64x1x256xf32>
    %broadcast_in_dim3A_53 = vector.broadcast %broadcast_in_dim3A_52 : vector<64x1x256xf32> to vector<64x32x256xf32>
    %reshape3A_54 = vector.shape_cast %broadcast_in_dim3A_53 : vector<64x32x256xf32> to vector<2048x256xf32>
    %concatenate3A = tpu.concatenate %reshape3A_54, %add3A_21 in 1 : vector<2048x256xf32>, vector<2048x256xf32> -> vector<2048x512xf32>
    %get3A_55 = arith.constant 0 : index
    %get3A_56 = arith.constant 0 : index
    %get3A_57 = vector.load %arg10[%get3A_55, %get3A_56] : memref<512x512xf32, #tpu.memory_space<vmem>>, vector<512x512xf32>
    %dot_general3A_58 = arith.constant dense<0.000000e+00> : vector<2048x512xf32>
    %dot_general3A_59 = tpu.matmul %concatenate3A, %get3A_57, %dot_general3A_58 {dimension_numbers = #tpu.dot_dimension_numbers<[1], [0], [0], [1], [0, 0, 1, 1], [], []>, transpose_lhs_hint = false} : vector<2048x512xf32>, vector<512x512xf32>, vector<2048x512xf32> -> vector<2048x512xf32>
    %get3A_60 = arith.constant 0 : index
    %get3A_61 = arith.constant 0 : index
    %get3A_62 = vector.load %arg11[%get3A_60, %get3A_61] : memref<1x512xf32, #tpu.memory_space<vmem>>, vector<1x512xf32>
    %add3A_63 = vector.broadcast %get3A_62 : vector<1x512xf32> to vector<2048x512xf32>
    %add3A_64 = arith.addf %dot_general3A_59, %add3A_63 : vector<2048x512xf32>
    %swap3A = arith.constant 0 : index
    %swap3A_65 = arith.constant 0 : index
    %swap3A_66 = vector.load %arg12[%swap3A, %swap3A_65] : memref<2048x512xf32, #tpu.memory_space<vmem>>, vector<2048x512xf32>
    tpu.vector_store %arg12[%swap3A, %swap3A_65], %add3A_64 {strides = array<i32>} : memref<2048x512xf32, #tpu.memory_space<vmem>>, vector<2048x512xf32>,
    %reduce_sum3A_67 = arith.constant dense<0.000000e+00> : vector<512xf32>
    %reduce_sum3A_68 = vector.multi_reduction <add>, %add3A_64, %reduce_sum3A_67 [0] : vector<2048x512xf32> to vector<512xf32>
    %broadcast_in_dim3A_69 = vector.shape_cast %reduce_sum3A_68 : vector<512xf32> to vector<1x512xf32>
    %mul3A_70 = arith.mulf %add3A_64, %add3A_64 : vector<2048x512xf32>
    %reduce_sum3A_71 = arith.constant dense<0.000000e+00> : vector<512xf32>
    %reduce_sum3A_72 = vector.multi_reduction <add>, %mul3A_70, %reduce_sum3A_71 [0] : vector<2048x512xf32> to vector<512xf32>
    %broadcast_in_dim3A_73 = vector.shape_cast %reduce_sum3A_72 : vector<512xf32> to vector<1x512xf32>
    %eq3A = arith.constant 0 : i32
    %eq3A_74 = arith.cmpi eq, %arg0, %eq3A : i32
    %convert_element_type3A = arith.extui %eq3A_74 : i1 to i32
    %cond3A = arith.constant 0 : i32
    %cond3A_75 = arith.cmpi ne, %convert_element_type3A, %cond3A : i32
    scf.if %cond3A_75 {
      %broadcast_in_dim3A_84 = arith.constant 0.000000e+00 : f32
      %broadcast_in_dim3A_85 = vector.broadcast %broadcast_in_dim3A_84 : f32 to vector<2x512xf32>
      %swap3A_86 = arith.constant 0 : index
      %swap3A_87 = arith.constant 0 : index
      %swap3A_88 = vector.load %arg13[%swap3A_86, %swap3A_87] : memref<2x512xf32, #tpu.memory_space<vmem>>, vector<2x512xf32>
      tpu.vector_store %arg13[%swap3A_86, %swap3A_87], %broadcast_in_dim3A_85 {strides = array<i32>} : memref<2x512xf32, #tpu.memory_space<vmem>>, vector<2x512xf32>,
    } else {
    }
    %get3A_76 = arith.constant 0 : index
    %get3A_77 = arith.constant 0 : index
    %get3A_78 = vector.load %arg13[%get3A_76, %get3A_77] : memref<2x512xf32, #tpu.memory_space<vmem>>, vector<2x512xf32>
    %concatenate3A_79 = tpu.concatenate %broadcast_in_dim3A_69, %broadcast_in_dim3A_73 in 0 : vector<1x512xf32>, vector<1x512xf32> -> vector<2x512xf32>
    %add3A_80 = arith.addf %get3A_78, %concatenate3A_79 : vector<2x512xf32>
    %swap3A_81 = arith.constant 0 : index
    %swap3A_82 = arith.constant 0 : index
    %swap3A_83 = vector.load %arg13[%swap3A_81, %swap3A_82] : memref<2x512xf32, #tpu.memory_space<vmem>>, vector<2x512xf32>
    tpu.vector_store %arg13[%swap3A_81, %swap3A_82], %add3A_80 {strides = array<i32>} : memref<2x512xf32, #tpu.memory_space<vmem>>, vector<2x512xf32>,
    return
  }
  func.func @transform_0(%arg0: i32) -> (i32, i32) {
    %c0_i32 = arith.constant 0 : i32
    %c0_i32_0 = arith.constant 0 : i32
    return %arg0, %c0_i32 : i32, i32
  }
  func.func @transform_1(%arg0: i32) -> (i32, i32) {
    %c0_i32 = arith.constant 0 : i32
    %c0_i32_0 = arith.constant 0 : i32
    %c0_i32_1 = arith.constant 0 : i32
    return %c0_i32, %c0_i32_0 : i32, i32
  }
  func.func @transform_2(%arg0: i32) -> (i32, i32) {
    %c0_i32 = arith.constant 0 : i32
    %c0_i32_0 = arith.constant 0 : i32
    %c0_i32_1 = arith.constant 0 : i32
    return %c0_i32, %c0_i32_0 : i32, i32
  }
  func.func @transform_3(%arg0: i32) -> (i32, i32) {
    %c0_i32 = arith.constant 0 : i32
    %c0_i32_0 = arith.constant 0 : i32
    %c0_i32_1 = arith.constant 0 : i32
    return %c0_i32, %c0_i32_0 : i32, i32
  }
  func.func @transform_4(%arg0: i32) -> (i32, i32) {
    %c0_i32 = arith.constant 0 : i32
    %c0_i32_0 = arith.constant 0 : i32
    %c0_i32_1 = arith.constant 0 : i32
    return %c0_i32, %c0_i32_0 : i32, i32
  }
  func.func @transform_5(%arg0: i32) -> (i32, i32) {
    %c0_i32 = arith.constant 0 : i32
    %c0_i32_0 = arith.constant 0 : i32
    %c0_i32_1 = arith.constant 0 : i32
    return %c0_i32, %c0_i32_0 : i32, i32
  }
  func.func @transform_6(%arg0: i32) -> (i32, i32) {
    %c0_i32 = arith.constant 0 : i32
    %c0_i32_0 = arith.constant 0 : i32
    %c0_i32_1 = arith.constant 0 : i32
    return %c0_i32, %c0_i32_0 : i32, i32
  }
  func.func @transform_7(%arg0: i32) -> (i32, i32) {
    %c0_i32 = arith.constant 0 : i32
    %c0_i32_0 = arith.constant 0 : i32
    %c0_i32_1 = arith.constant 0 : i32
    return %c0_i32, %c0_i32_0 : i32, i32
  }
  func.func @transform_8(%arg0: i32) -> (i32, i32) {
    %c0_i32 = arith.constant 0 : i32
    %c0_i32_0 = arith.constant 0 : i32
    %c0_i32_1 = arith.constant 0 : i32
    return %c0_i32, %c0_i32_0 : i32, i32
  }
  func.func @transform_9(%arg0: i32) -> (i32, i32) {
    %c0_i32 = arith.constant 0 : i32
    %c0_i32_0 = arith.constant 0 : i32
    %c0_i32_1 = arith.constant 0 : i32
    return %c0_i32, %c0_i32_0 : i32, i32
  }
  func.func @transform_10(%arg0: i32) -> (i32, i32) {
    %c0_i32 = arith.constant 0 : i32
    %c0_i32_0 = arith.constant 0 : i32
    %c0_i32_1 = arith.constant 0 : i32
    return %c0_i32, %c0_i32_0 : i32, i32
  }
  func.func @transform_11(%arg0: i32) -> (i32, i32) {
    %c0_i32 = arith.constant 0 : i32
    %c0_i32_0 = arith.constant 0 : i32
    return %arg0, %c0_i32 : i32, i32
  }
  func.func @transform_12(%arg0: i32) -> (i32, i32) {
    %c0_i32 = arith.constant 0 : i32
    %c0_i32_0 = arith.constant 0 : i32
    %c0_i32_1 = arith.constant 0 : i32
    return %c0_i32, %c0_i32_0 : i32, i32
  }
}

module attributes {stable_mosaic.version = 14 : i64} {
  func.func @_pass_c(%arg0: i32, %arg1: memref<2048x512xf32, #tpu.memory_space<vmem>>, %arg2: memref<1x512xf32, #tpu.memory_space<vmem>>, %arg3: memref<1x512xf32, #tpu.memory_space<vmem>>, %arg4: memref<512x512xf32, #tpu.memory_space<vmem>>, %arg5: memref<1x512xf32, #tpu.memory_space<vmem>>, %arg6: memref<512x1xf32, #tpu.memory_space<vmem>>, %arg7: memref<1x1xf32, #tpu.memory_space<vmem>>, %arg8: memref<512x512xf32, #tpu.memory_space<vmem>>, %arg9: memref<1x512xf32, #tpu.memory_space<vmem>>, %arg10: memref<64x512xf32, #tpu.memory_space<vmem>>) attributes {dimension_semantics = [#tpu.dimension_semantics<arbitrary>], iteration_bounds = array<i64: 16>, scalar_prefetch = 0 : i64, scratch_operands = 0 : i64, tpu.core_type = #tpu.core_type<tc>, window_params = [{transform_indices = @transform_0, window_bounds = array<i64: 2048, 512>}, {pipeline_mode = #tpu.pipeline_mode<synchronous>, transform_indices = @transform_1, window_bounds = array<i64: 1, 512>}, {pipeline_mode = #tpu.pipeline_mode<synchronous>, transform_indices = @transform_2, window_bounds = array<i64: 1, 512>}, {pipeline_mode = #tpu.pipeline_mode<synchronous>, transform_indices = @transform_3, window_bounds = array<i64: 512, 512>}, {pipeline_mode = #tpu.pipeline_mode<synchronous>, transform_indices = @transform_4, window_bounds = array<i64: 1, 512>}, {pipeline_mode = #tpu.pipeline_mode<synchronous>, transform_indices = @transform_5, window_bounds = array<i64: 512, 1>}, {pipeline_mode = #tpu.pipeline_mode<synchronous>, transform_indices = @transform_6, window_bounds = array<i64: 1, 1>}, {pipeline_mode = #tpu.pipeline_mode<synchronous>, transform_indices = @transform_7, window_bounds = array<i64: 512, 512>}, {pipeline_mode = #tpu.pipeline_mode<synchronous>, transform_indices = @transform_8, window_bounds = array<i64: 1, 512>}, {transform_indices = @transform_9, window_bounds = array<i64: 64, 512>}]} {
    %get3A = arith.constant 0 : index
    %get3A_0 = arith.constant 0 : index
    %get3A_1 = vector.load %arg1[%get3A, %get3A_0] : memref<2048x512xf32, #tpu.memory_space<vmem>>, vector<2048x512xf32>
    %get3A_2 = arith.constant 0 : index
    %get3A_3 = arith.constant 0 : index
    %get3A_4 = vector.load %arg2[%get3A_2, %get3A_3] : memref<1x512xf32, #tpu.memory_space<vmem>>, vector<1x512xf32>
    %mul3A = vector.broadcast %get3A_4 : vector<1x512xf32> to vector<2048x512xf32>
    %mul3A_5 = arith.mulf %get3A_1, %mul3A : vector<2048x512xf32>
    %get3A_6 = arith.constant 0 : index
    %get3A_7 = arith.constant 0 : index
    %get3A_8 = vector.load %arg3[%get3A_6, %get3A_7] : memref<1x512xf32, #tpu.memory_space<vmem>>, vector<1x512xf32>
    %add3A = vector.broadcast %get3A_8 : vector<1x512xf32> to vector<2048x512xf32>
    %add3A_9 = arith.addf %mul3A_5, %add3A : vector<2048x512xf32>
    %max3A = arith.constant 0.000000e+00 : f32
    %max3A_10 = vector.broadcast %max3A : f32 to vector<2048x512xf32>
    %max3A_11 = arith.maximumf %add3A_9, %max3A_10 : vector<2048x512xf32>
    %get3A_12 = arith.constant 0 : index
    %get3A_13 = arith.constant 0 : index
    %get3A_14 = vector.load %arg4[%get3A_12, %get3A_13] : memref<512x512xf32, #tpu.memory_space<vmem>>, vector<512x512xf32>
    %dot_general3A = arith.constant dense<0.000000e+00> : vector<2048x512xf32>
    %dot_general3A_15 = tpu.matmul %max3A_11, %get3A_14, %dot_general3A {dimension_numbers = #tpu.dot_dimension_numbers<[1], [0], [0], [1], [0, 0, 1, 1], [], []>, transpose_lhs_hint = false} : vector<2048x512xf32>, vector<512x512xf32>, vector<2048x512xf32> -> vector<2048x512xf32>
    %get3A_16 = arith.constant 0 : index
    %get3A_17 = arith.constant 0 : index
    %get3A_18 = vector.load %arg5[%get3A_16, %get3A_17] : memref<1x512xf32, #tpu.memory_space<vmem>>, vector<1x512xf32>
    %add3A_19 = vector.broadcast %get3A_18 : vector<1x512xf32> to vector<2048x512xf32>
    %add3A_20 = arith.addf %dot_general3A_15, %add3A_19 : vector<2048x512xf32>
    %get3A_21 = arith.constant 0 : index
    %get3A_22 = arith.constant 0 : index
    %get3A_23 = vector.load %arg6[%get3A_21, %get3A_22] : memref<512x1xf32, #tpu.memory_space<vmem>>, vector<512x1xf32>
    %dot_general3A_24 = arith.constant dense<0.000000e+00> : vector<2048x1xf32>
    %dot_general3A_25 = tpu.matmul %add3A_20, %get3A_23, %dot_general3A_24 {dimension_numbers = #tpu.dot_dimension_numbers<[1], [0], [0], [1], [0, 0, 1, 1], [], []>, transpose_lhs_hint = false} : vector<2048x512xf32>, vector<512x1xf32>, vector<2048x1xf32> -> vector<2048x1xf32>
    %get3A_26 = arith.constant 0 : index
    %get3A_27 = arith.constant 0 : index
    %get3A_28 = vector.load %arg7[%get3A_26, %get3A_27] : memref<1x1xf32, #tpu.memory_space<vmem>>, vector<1x1xf32>
    %add3A_29 = vector.broadcast %get3A_28 : vector<1x1xf32> to vector<2048x1xf32>
    %add3A_30 = arith.addf %dot_general3A_25, %add3A_29 : vector<2048x1xf32>
    %reshape3A = vector.shape_cast %add3A_30 : vector<2048x1xf32> to vector<64x32x1xf32>
    %reduce_max3A = arith.constant dense<0xFF800000> : vector<64x1xf32>
    %reduce_max3A_31 = vector.multi_reduction <maximumf>, %reshape3A, %reduce_max3A [1] : vector<64x32x1xf32> to vector<64x1xf32>
    %broadcast_in_dim3A = vector.shape_cast %reduce_max3A_31 : vector<64x1xf32> to vector<64x1x1xf32>
    %sub3A = vector.broadcast %broadcast_in_dim3A : vector<64x1x1xf32> to vector<64x32x1xf32>
    %sub3A_32 = arith.subf %reshape3A, %sub3A : vector<64x32x1xf32>
    %exp3A = math.exp %sub3A_32 : vector<64x32x1xf32>
    %reduce_sum3A = arith.constant dense<0.000000e+00> : vector<64x1xf32>
    %reduce_sum3A_33 = vector.multi_reduction <add>, %exp3A, %reduce_sum3A [1] : vector<64x32x1xf32> to vector<64x1xf32>
    %broadcast_in_dim3A_34 = vector.shape_cast %reduce_sum3A_33 : vector<64x1xf32> to vector<64x1x1xf32>
    %div3A = vector.broadcast %broadcast_in_dim3A_34 : vector<64x1x1xf32> to vector<64x32x1xf32>
    %div3A_35 = arith.divf %exp3A, %div3A : vector<64x32x1xf32>
    %reshape3A_36 = vector.shape_cast %add3A_20 : vector<2048x512xf32> to vector<64x32x512xf32>
    %mul3A_37 = vector.broadcast %div3A_35 : vector<64x32x1xf32> to vector<64x32x512xf32>
    %mul3A_38 = arith.mulf %mul3A_37, %reshape3A_36 : vector<64x32x512xf32>
    %reduce_sum3A_39 = arith.constant dense<0.000000e+00> : vector<64x512xf32>
    %reduce_sum3A_40 = vector.multi_reduction <add>, %mul3A_38, %reduce_sum3A_39 [1] : vector<64x32x512xf32> to vector<64x512xf32>
    %get3A_41 = arith.constant 0 : index
    %get3A_42 = arith.constant 0 : index
    %get3A_43 = vector.load %arg8[%get3A_41, %get3A_42] : memref<512x512xf32, #tpu.memory_space<vmem>>, vector<512x512xf32>
    %dot_general3A_44 = arith.constant dense<0.000000e+00> : vector<64x512xf32>
    %dot_general3A_45 = tpu.matmul %reduce_sum3A_40, %get3A_43, %dot_general3A_44 {dimension_numbers = #tpu.dot_dimension_numbers<[1], [0], [0], [1], [0, 0, 1, 1], [], []>, transpose_lhs_hint = false} : vector<64x512xf32>, vector<512x512xf32>, vector<64x512xf32> -> vector<64x512xf32>
    %get3A_46 = arith.constant 0 : index
    %get3A_47 = arith.constant 0 : index
    %get3A_48 = vector.load %arg9[%get3A_46, %get3A_47] : memref<1x512xf32, #tpu.memory_space<vmem>>, vector<1x512xf32>
    %add3A_49 = vector.broadcast %get3A_48 : vector<1x512xf32> to vector<64x512xf32>
    %add3A_50 = arith.addf %dot_general3A_45, %add3A_49 : vector<64x512xf32>
    %swap3A = arith.constant 0 : index
    %swap3A_51 = arith.constant 0 : index
    %swap3A_52 = vector.load %arg10[%swap3A, %swap3A_51] : memref<64x512xf32, #tpu.memory_space<vmem>>, vector<64x512xf32>
    tpu.vector_store %arg10[%swap3A, %swap3A_51], %add3A_50 {strides = array<i32>} : memref<64x512xf32, #tpu.memory_space<vmem>>, vector<64x512xf32>,
    return
  }
  func.func @transform_0(%arg0: i32) -> (i32, i32) {
    %c0_i32 = arith.constant 0 : i32
    %c0_i32_0 = arith.constant 0 : i32
    return %arg0, %c0_i32 : i32, i32
  }
  func.func @transform_1(%arg0: i32) -> (i32, i32) {
    %c0_i32 = arith.constant 0 : i32
    %c0_i32_0 = arith.constant 0 : i32
    %c0_i32_1 = arith.constant 0 : i32
    return %c0_i32, %c0_i32_0 : i32, i32
  }
  func.func @transform_2(%arg0: i32) -> (i32, i32) {
    %c0_i32 = arith.constant 0 : i32
    %c0_i32_0 = arith.constant 0 : i32
    %c0_i32_1 = arith.constant 0 : i32
    return %c0_i32, %c0_i32_0 : i32, i32
  }
  func.func @transform_3(%arg0: i32) -> (i32, i32) {
    %c0_i32 = arith.constant 0 : i32
    %c0_i32_0 = arith.constant 0 : i32
    %c0_i32_1 = arith.constant 0 : i32
    return %c0_i32, %c0_i32_0 : i32, i32
  }
  func.func @transform_4(%arg0: i32) -> (i32, i32) {
    %c0_i32 = arith.constant 0 : i32
    %c0_i32_0 = arith.constant 0 : i32
    %c0_i32_1 = arith.constant 0 : i32
    return %c0_i32, %c0_i32_0 : i32, i32
  }
  func.func @transform_5(%arg0: i32) -> (i32, i32) {
    %c0_i32 = arith.constant 0 : i32
    %c0_i32_0 = arith.constant 0 : i32
    %c0_i32_1 = arith.constant 0 : i32
    return %c0_i32, %c0_i32_0 : i32, i32
  }
  func.func @transform_6(%arg0: i32) -> (i32, i32) {
    %c0_i32 = arith.constant 0 : i32
    %c0_i32_0 = arith.constant 0 : i32
    %c0_i32_1 = arith.constant 0 : i32
    return %c0_i32, %c0_i32_0 : i32, i32
  }
  func.func @transform_7(%arg0: i32) -> (i32, i32) {
    %c0_i32 = arith.constant 0 : i32
    %c0_i32_0 = arith.constant 0 : i32
    %c0_i32_1 = arith.constant 0 : i32
    return %c0_i32, %c0_i32_0 : i32, i32
  }
  func.func @transform_8(%arg0: i32) -> (i32, i32) {
    %c0_i32 = arith.constant 0 : i32
    %c0_i32_0 = arith.constant 0 : i32
    %c0_i32_1 = arith.constant 0 : i32
    return %c0_i32, %c0_i32_0 : i32, i32
  }
  func.func @transform_9(%arg0: i32) -> (i32, i32) {
    %c0_i32 = arith.constant 0 : i32
    %c0_i32_0 = arith.constant 0 : i32
    return %arg0, %c0_i32 : i32, i32
  }
}

</mosaic_0001>

<sc_bundles>
// kernel: kernel.7.cloned.1.call-start
scs
__scs_entry_jumppad:
0x0: {  	(pc) =	sbr.rel $0x88, $3  }
0x1: {  	(tag) =	ssettag $0x0;
	lr =	simm.s32 $0x1  }
0x2: {  	[smem:$0x3F8C] =	sst lr;
	_ =	strace $0xD0000000  }
0x3: {  	_ = 	snop  }
0x4: {  	_ = 	snop  }
0x5: {  	_ = 	snop  }
0x6: {  	_ = 	snop  }
0x7: {  	_ = 	snop  }
__scs_overlays_trampoline_lowered:
0x8: {  	[smem:$0x3F9B] =	sst s0  }
0x9: {  	[smem:$0x3F9C] =	sst s1  }
0xa: {  	[smem:$0x3F9D] =	sst s2  }
0xb: {  	[smem:$0x3F9E] =	sst s3  }
0xc: {  	[smem:$0x3F9F] =	sst s4  }
0xd: {  	[smem:$0x3FA0] =	sst s5  }
0xe: {  	[smem:$0x3FA1] =	sst s6  }
0xf: {  	[smem:$0x3FA2] =	sst s7  }
0x10: {  	[smem:$0x3FA3] =	sst s8  }
0x11: {  	[smem:$0x3FA4] =	sst s9;
	s0 =	simm.s32 @!p0 $0x0  }
0x12: {  	s1 =	sld [smem:$0x3F8A];
	s0 =	simm.s32 @p0 $0x1  }
0x13: {  	[smem:$0x3FA5] =	sst s0;
	s0 =	simm.s32 @!p1 $0x0  }
0x14: {  	s2 =	sld [smem:$0x3F89];
	s0 =	simm.s32 @p1 $0x1  }
0x15: {  	[smem:$0x3FA6] =	sst s0;
	s0 =	simm.s32 @!p2 $0x0  }
0x16: {  	s3 =	sld [smem:$0x3FDB];
	s0 =	simm.s32 @p2 $0x1  }
0x17: {  	s4 =	simm.s32 $0x1BF5;
	[smem:$0x3FA8] =	sst s0  }
0x18: {  	s0 =	sld [smem:$0x3F8B];
	_ =	swait.ge [sflag:s4], $0x0  }
0x19: {  	s7 =	sld [smem:$0x3F8C]  }
0x1a: {  	s8 =	sadd.s32 $0xFFFFE003, lr  }
0x1b: {  	s9 =	sadd.s32 $0xFFFFFEF7, lr;
	s5 =	simm.s32 $0xFFFFFFFF;
	p2 =	slt.u32 s8, $0xFFFFF086  }
0x1c: {  	p1 =	slt.u32 s9, $0xF7A;
	s5 =	simm.s32 @!p2 $0x0  }
0x1d: {  	s5 =	simm.s32 @p1 $0x1;
	p0 =	seq.s32 s7, s2  }
0x1e: {  	s7 =	smul.u32 @!p0 $0xF7A, s2;
	p2 =	seq.s32 @!p0 s5, $0x0  }
0x1f: {  	s9 =	smul.u32 $0xF7A, s1;
	s8 =	simm.s32 @!p0 $0x1BF5;
	p2 =	por !p2, p0  }
0x20: {  	[sflag:s8] =	ssyncset.s32 @!p0 $0xFFFFF086;
	s6 =	sadd.s32 @!p0 s3, s7;
	s7 =	simm.s32 @!p0 $0x108  }
0x21: {  	s3 =	sadd.s32 s3, s9;
	s6 =	sadd.s32 @!p0 $0x88, s6;
	s7 =	simm.s32 @p2 $0x1082  }
0x22: {  	[simem:s7], [sflag:s8] =	dma.local @!p0 [hbm:s6], $0xF7A  }
0x23: {  	s9 =	sor.u32 $0xD0000000, s2;
	s6 =	simm.s32 $0x108;
	_ =	swait.ge @!p0 [sflag:s8], $0x0  }
0x24: {  	s3 =	sadd.s32 $0x88, s3;
	s6 =	simm.s32 @!p1 $0x1082;
	[sflag:s4] =	ssyncset.s32 $0xFFFFF086  }
0x25: {  	[simem:s6], [sflag:s4] =	dma.local [hbm:s3], $0xF7A  }
0x26: {  	[smem:$0x3F8C] =	sst s1;
	(tag) =	ssettag s2;
	_ =	strace s9  }
0x27: {  	s1 =	sld [smem:$0x3F9C]  }
0x28: {  	s2 =	sld [smem:$0x3F9D]  }
0x29: {  	s4 =	sld [smem:$0x3F9F]  }
0x2a: {  	p0 =	seq.s32 s5, $0x0;
	s5 =	sld [smem:$0x3FA0]  }
0x2b: {  	s6 =	sld [smem:$0x3FA1]  }
0x2c: {  	s7 =	sld [smem:$0x3FA2]  }
0x2d: {  	s3 =	simm.s32 $0x108;
	s8 =	sld [smem:$0x3FA3]  }
0x2e: {  	s3 =	simm.s32 @!p0 $0x1082;
	s9 =	sld [smem:$0x3FA4]  }
0x2f: {  	lr =	sadd.s32 s0, s3;
	s0 =	sld [smem:$0x3F9B]  }
0x30: {  	s3 =	sld [smem:$0x3F9E]  }
0x31: {  	[smem:$0x3FA7] =	sst s10  }
0x32: {  	s10 =	sld [smem:$0x3FA5];
	_ =	sdelay $0x3  }
0x33: {  	p0 =	seq.s32 s10, $0x1;
	s10 =	sld [smem:$0x3FA7];
	_ =	sdelay $0x3  }
0x34: {  	[smem:$0x3FA7] =	sst s10  }
0x35: {  	s10 =	sld [smem:$0x3FA6];
	_ =	sdelay $0x3  }
0x36: {  	p1 =	seq.s32 s10, $0x1;
	s10 =	sld [smem:$0x3FA7];
	_ =	sdelay $0x3  }
0x37: {  	[smem:$0x3FA7] =	sst s10  }
0x38: {  	s10 =	sld [smem:$0x3FA8]  }
0x39: {  	_ = 	snop;
	(pc) =	sbr.ind lr, $3  }
0x3a: {  	_ = 	snop  }
0x3b: {  	_ = 	snop  }
0x3c: {  	p2 =	seq.s32 s10, $0x1;
	s10 =	sld [smem:$0x3FA7]  }
0x3d: {  	_ =	shalt  }
0x3e: {  	_ =	shalt  }
0x3f: {  	_ =	shalt  }
0x40: {  	_ =	shalt  }
0x41: {  	_ =	shalt  }
0x42: {  	_ =	shalt  }
0x43: {  	_ =	shalt  }
0x44: {  	_ =	shalt  }
0x45: {  	_ =	shalt  }
0x46: {  	_ =	shalt  }
0x47: {  	_ =	shalt  }
0x48: {  	_ =	shalt  }
0x49: {  	_ =	shalt  }
0x4a: {  	_ =	shalt  }
0x4b: {  	_ =	shalt  }
0x4c: {  	_ =	shalt  }
0x4d: {  	_ =	shalt  }
0x4e: {  	_ =	shalt  }
0x4f: {  	_ =	shalt  }
0x50: {  	_ =	shalt  }
0x51: {  	_ =	shalt  }
0x52: {  	_ =	shalt  }
0x53: {  	_ =	shalt  }
0x54: {  	_ =	shalt  }
0x55: {  	_ =	shalt  }
0x56: {  	_ =	shalt  }
0x57: {  	_ =	shalt  }
0x58: {  	_ =	shalt  }
0x59: {  	_ =	shalt  }
0x5a: {  	_ =	shalt  }
0x5b: {  	_ =	shalt  }
0x5c: {  	_ =	shalt  }
0x5d: {  	_ =	shalt  }
0x5e: {  	_ =	shalt  }
0x5f: {  	_ =	shalt  }
0x60: {  	_ =	shalt  }
0x61: {  	_ =	shalt  }
0x62: {  	_ =	shalt  }
0x63: {  	_ =	shalt  }
0x64: {  	_ =	shalt  }
0x65: {  	_ =	shalt  }
0x66: {  	_ =	shalt  }
0x67: {  	_ =	shalt  }
0x68: {  	_ =	shalt  }
0x69: {  	_ =	shalt  }
0x6a: {  	_ =	shalt  }
0x6b: {  	_ =	shalt  }
0x6c: {  	_ =	shalt  }
0x6d: {  	_ =	shalt  }
0x6e: {  	_ =	shalt  }
0x6f: {  	_ =	shalt  }
0x70: {  	_ =	shalt  }
0x71: {  	_ =	shalt  }
0x72: {  	_ =	shalt  }
0x73: {  	_ =	shalt  }
0x74: {  	_ =	shalt  }
0x75: {  	_ =	shalt  }
0x76: {  	_ =	shalt  }
0x77: {  	_ =	shalt  }
0x78: {  	_ =	shalt  }
0x79: {  	_ =	shalt  }
0x7a: {  	_ =	shalt  }
0x7b: {  	_ =	shalt  }
0x7c: {  	_ =	shalt  }
0x7d: {  	_ =	shalt  }
0x7e: {  	_ =	shalt  }
0x7f: {  	_ =	shalt  }
0x80: {  	_ =	shalt  }
0x81: {  	_ =	shalt  }
0x82: {  	_ =	shalt  }
0x83: {  	_ =	shalt  }
0x84: {  	_ =	shalt  }
0x85: {  	_ =	shalt  }
0x86: {  	_ =	shalt  }
0x87: {  	_ =	shalt  }
.Lfunc_end0:
.L_simem_size_0:
called_computation_lowered:
.L_overlay_start_0:
0x88: {  	s2 =	sld [smem:$0x3FD9]  }
0x89: {  	s3 =	sld [smem:$0x3FFE];
	_ =	sdelay $0x1  }
0x8a: {  	s1 =	srdreg.scid  }
0x8b: {  	s0 =	sand.u32 $0x1, s1  }
0x8c: {  	s14 =	sshll.u32 s0, $0xA;
	s2 =	sadd.s32 s3, s2  }
0x8d: {  	s2 =	sadd.s32 s2, s14  }
0x8e: {  	[smem:$0x3FB3] =	sst s2  }
0x8f: {  	_ = 	snop  }
0x90: {  	s2 =	sld [smem:$0x3FD0];
	_ =	sdelay $0x2  }
0x91: {  	s15 =	simm.s32 $0xA;
	s4 =	simm.s32 $0x10  }
0x92: {  	[smem:s4], [sflag:s15] =	dma.local [hbm:s2], $0x1  }
0x93: {  	_ =	swait.eq [sflag:s15], $0x1  }
0x94: {  	[sflag:s15] =	ssyncset.done $0x0  }
0x95: {  	[sflag:s15] =	ssyncadd.s32 $0xFFFFFFFF  }
0x96: {  	s16 =	sld [smem:$0x11];
	(tm) =	ssettm $0x1  }
0x97: {  	s17 =	sld [smem:$0x3FFB];
	_ =	sdelay $0x3  }
0x98: {  	_ =	strace s17  }
0x99: {  	s3 =	sld [smem:$0x3FFC];
	_ =	sdelay $0x3  }
0x9a: {  	_ =	strace s3  }
0x9b: {  	s3 =	sld [smem:$0x3FFD];
	_ =	sdelay $0x3  }
0x9c: {  	_ =	strace s3  }
0x9d: {  	_ =	strace $0x8FFFFFFF  }
0x9e: {  	s18 =	sld [smem:$0x3FDB];
	_ =	sdelay $0x1  }
0x9f: {  	s19 =	simm.s32 $_scs_section_size  }
0xa0: {  	s5 =	simm.s32 $_size__tile_overlayer_lowered;
	s6 =	simm.s32 $_tile_overlayer_lowered  }
0xa1: {  	s22 =	simm.s32 $0x1BFF;
	s21 =	sshll.u32 s6, $0x1;
	s3 =	sadd.s32 s19, s18  }
0xa2: {  	s7 =	simm.s32 $0x0;
	s20 =	sshll.u32 s5, $0x1;
	s5 =	sadd.s32 s21, s3  }
0xa3: {  	[timem:s7], [sflag:s22] =	dma.local [hbm:s5], s20  }
0xa4: {  	_ =	swait.ge [sflag:s22], s20  }
0xa5: {  	s4 =	ssub.s32 $0x0, s20;
	[sflag:s22] =	ssyncset.done $0x0  }
0xa6: {  	[sflag:s22] =	ssyncadd.s32 s4;
	_ =	sdelay $0x1  }
0xa7: {  	s23 =	simm.s32 $0x1B8B  }
0xa8: {  	_ =	swait.ge [sflag:s23], $0x1  }
0xa9: {  	[sflag:s23] =	ssyncset.done $0x0  }
0xaa: {  	s25 =	simm.s32 $0x1B8E;
	s24 =	sld [smem:$0x3FFE];
	[sflag:s23] =	ssyncadd.s32 $0xFFFFFFFF  }
0xab: {  	s26 =	simm.s32 $execute0_lowered;
	[smem:$0x3FD2] =	sst s25  }
0xac: {  	s5 =	sshll.u32 s26, $0x1;
	_ =	strace $0x80000046;
	[dreg:$0x1] =	wrdreg $0xFFFFFFFF  }
0xad: {  	s28 =	simm.s32 $_size_execute0_lowered;
	s3 =	sadd.s32 s3, s5;
	[dreg:$0x0] =	wrdreg $0x0  }
0xae: {  	s5 =	sshll.u32 s28, $0x1;
	[dreg:$0x2] =	wrdreg s3  }
0xaf: {  	[dreg:$0x3] =	wrdreg s5  }
0xb0: {  	[dreg:$0x4] =	wrdreg $0xC0  }
0xb1: {  	_ =	task [dreg:s7], $0x5FFFF  }
0xb2: {  	[dreg:$0x1] =	wrdreg $0xFFFFFFFF  }
0xb3: {  	[dreg:$0x0] =	wrdreg $0x60  }
0xb4: {  	[dreg:$0x2] =	wrdreg s24  }
0xb5: {  	[dreg:$0x3] =	wrdreg s16  }
0xb6: {  	[dreg:$0x4] =	wrdreg $0x9  }
0xb7: {  	_ =	task.clear_ibuf [dreg:s7], $0x5FFFF;
	_ =	strace $0x90000046  }
0xb8: {  	s29 =	simm.s32 $0x9;
	_ =	strace $0x80000048  }
0xb9: {  	_ =	swait.ge [sflag:s29], $0x1  }
0xba: {  	[sflag:s29] =	ssyncadd.s32 $0xFFFFFFFF  }
0xbb: {  	_ =	strace $0x90000048  }
0xbc: {  	_ =	sfence  }
0xbd: {  	s30 =	sld [smem:$0x0];
	_ =	sdelay $0x2  }
0xbe: {  	s31 =	sshll.u32 s1, $0xD;
	s1 =	sshrl.u32 s1, $0x2  }
0xbf: {  	s3 =	sand.u32 $0x4000, s31;
	s1 =	sadd.s32 s1, s30  }
0xc0: {  	s0 =	sor.u32 s3, s0;
	s1 =	sshll.u32 s1, $0x11  }
0xc1: {  	s0 =	sor.u32 s1, s0  }
0xc2: {  	s0 =	sadd.s32 $0x8F2B, s0  }
0xc3: {  	[sflag:s0] =	ssyncadd.remote.s32 $0x1  }
0xc4: {  	_ =	sfence.sel $0xFFFF  }
0xc5: {  	[dreg:$0x0] =	wrdreg $0xFFFFFFFF;
	(pc) =	sbr.abs _section_cstart, $3  }
0xc6: {  	[dreg:$0x1] =	wrdreg $0xFFFFFFFF  }
0xc7: {  	_ =	task.clear_ibuf [dreg:s7], $0x2FFFF;
	_ =	strace $0x9FFFFFFF  }
0xc8: {  	(tm) =	ssettm $0x7FFFFFFF  }
0xc9: {  	_ =	shalt  }
tec
execute0_lowered:
.L_overlay_start_1:
0x0: {  	(tag) =	ssettag $0x1  }
0x1: {  	s0 =	rddreg [dreg:$0x0]  }
0x2: {  	s5 =	rddreg [dreg:$0x1];
	s3 =	srdreg.scid;
	s2 =	simm.s32 $0x0  }
0x3: {  	s1 =	stileid.u32;
	s10 =	simm.s32 $0x4000;
	s11 =	simm.s32 $0x3  }
0x4: {  	s12 =	simm.s32 $0x80;
	s13 =	simm.s32 $0x400;
	s14 =	simm.s32 $0x1  }
0x5: {  	s15 =	simm.s32 $0x2000;
	s16 =	simm.s32 $0xC000;
	s17 =	simm.s32 $0xE080  }
0x6: {  	s18 =	simm.s32 $0x10100;
	s19 =	simm.s32 $0x10180;
	s20 =	simm.s32 $0x2  }
0x7: {  	s21 =	simm.s32 $0x0;
	s4 =	sand.u32 $0x1, s3;
	[smem:$0x7FF] =	sst s2  }
0x8: {  	s28 =	sshll.u32 s1, $0x6;
	s6 =	sshll.u32 s4, $0x5;
	_ =	strace $0x80000047  }
.Ltmp0:
0x9: {  	s29 =	ssub.s32 $0x2, s4;
	s3 =	sor.u32 s6, s28;
	(pc) =	sbr.rel .LBB2_1-.Ltmp0, $4  }
0xa: {  	s4 =	sadd.s32 $0x3A00, s0;
	s8 =	sshrl.u32 s29, $0x1;
	s7 =	sshll.u32 s3, $0x4  }
0xb: {  	s9 =	ssub.s32 s29, s8;
	s6 =	sor.u32 $0x1F, s3;
	s31 =	sshll.u32 s3, $0xA  }
0xc: {  	v0 =	vlaneseq.u32;
	s0 =	sadd.s32 s7, s0;
	s30 =	sand.u32 $0x3000, s7;
	s7 =	sadd.s32 s4, s31  }
0xd: {  	v1 =	vimm.s32 $0x0;
	v2 =	vimm.f32 $+Inf;
	v3 =	vmul.u32 $0x3, v0;
	s9 =	smax.u32 s9, $0x1;
	s5 =	sadd.s32 s5, s30;
	s8 =	sadd.s32 $0x103A00, s0  }
.LBB2_25:
0xe: {  	_ =	swait.ge [sflag:s14], $0x2000;
	s21 =	sadd.s32 $0x1, s21  }
0xf: {  	[sflag:s14] =	ssyncset.done $0x0;
	p0 =	sne.s32 s21, s9  }
.Ltmp1:
0x10: {  	[sflag:s14] =	ssyncadd.s32 $0xFFFFE000;
	(pc) =	sbr.rel @!p0 .LBB2_26-.Ltmp1, $4  }
0x11: {  	[hbm4b:s8+s2] =	stream.linear.scatter [tilespmem:s19], [sflag:$0x3], $0x1000, $0x38;
	[tilespmem:$0x11180] =	vst v63  }
0x12: {  	_ =	swait.ge [sflag:s11], $0x1000  }
0x13: {  	[sflag:s11] =	ssyncset.done $0x0  }
0x14: {  	[sflag:s11] =	ssyncadd.s32 $0xFFFFF000  }
.LBB2_1:
0x15: {  	[tilespmem:s10], [sflag:$0x3] =	stream.linear.gather [hbm4b:s5+s2], $0x8000, $0x38;
	[tilespmem:$0x11180] =	vst v63  }
.Ltmp2:
0x16: {  	_ = 	snop;
	(pc) =	sbr.rel .LBB2_2-.Ltmp2, $4  }
0x17: {  	_ =	swait.ge [sflag:s11], $0x8000  }
0x18: {  	[sflag:s11] =	ssyncset.done $0x0  }
0x19: {  	s22 =	simm.s32 $0x0;
	[sflag:s11] =	ssyncadd.s32 $0xFFFF8000  }
0x1a: {  	[tilespmem:s2], [sflag:$0x1] =	stream.strided.gather [hbm4b:s7+s12], $0x2000, s13, s12, $0x38;
	[tilespmem:$0x11180] =	vst v63  }
.LBB2_24:
0x1b: {  	v9 =	vld [tilespmem:$0x10100];
	_ =	sdelay $0x4  }
0x1c: {  	v10 =	vshll.u32 v9, $0x2  }
0x1d: {  	v9 =	vand.u32 $0x7F, v9;
	v10 =	vand.u32 $0xFFFFFE00, v10  }
0x1e: {  	v9 =	vor.u32 v9, v10;
	_ =	sdelay $0x3  }
0x1f: {  	s0 =	sor.u32 $0x80, s24  }
0x20: {  	v11 =	vor.u32 s0, v3;
	v10 =	vld.idx.msk [tilespmem:v9+s10+$0x0], $0xffff  }
0x21: {  	v12 =	vor.u32 $0x80, v9;
	_ =	sdelay $0x3  }
0x22: {  	[tilespmem:v11+s19+$0x0] =	vst.idx.msk $0xffff, v10  }
0x23: {  	v4 =	vor.u32 s0, v4;
	v10 =	vld.idx.msk [tilespmem:v12+s10+$0x0], $0xffff  }
0x24: {  	v9 =	vor.u32 $0x100, v9;
	_ =	sdelay $0x3  }
0x25: {  	[tilespmem:v4+s19+$0x0] =	vst.idx.msk $0xffff, v10  }
0x26: {  	v5 =	vor.u32 s0, v5;
	v4 =	vld.idx.msk [tilespmem:v9+s10+$0x0], $0xffff;
	_ =	sdelay $0x4  }
0x27: {  	[tilespmem:v5+s19+$0x0] =	vst.idx.msk $0xffff, v4  }
0x28: {  	v4 =	vld [tilespmem:$0x10110];
	_ =	sdelay $0x4  }
0x29: {  	v5 =	vshll.u32 v4, $0x2  }
0x2a: {  	v4 =	vand.u32 $0x7F, v4;
	v5 =	vand.u32 $0xFFFFFE00, v5  }
0x2b: {  	v4 =	vor.u32 v4, v5;
	_ =	sdelay $0x4  }
0x2c: {  	v6 =	vor.u32 s0, v6;
	v5 =	vld.idx.msk [tilespmem:v4+s10+$0x0], $0xffff  }
0x2d: {  	v62 =	vor.u32 $0x80, v4;
	_ =	sdelay $0x3  }
0x2e: {  	[tilespmem:v6+s19+$0x0] =	vst.idx.msk $0xffff, v5  }
0x2f: {  	v63 =	vor.u32 s0, v7;
	v5 =	vld.idx.msk [tilespmem:v62+s10+$0x0], $0xffff  }
0x30: {  	v4 =	vor.u32 $0x100, v4;
	_ =	sdelay $0x3  }
0x31: {  	s22 =	sadd.s32 $0x1, s22;
	[tilespmem:v63+s19+$0x0] =	vst.idx.msk $0xffff, v5  }
0x32: {  	p0 =	sne.s32 s22, $0x10;
	v5 =	vor.u32 s0, v8;
	v4 =	vld.idx.msk [tilespmem:v4+s10+$0x0], $0xffff  }
.Ltmp3:
0x33: {  	_ = 	snop;
	(pc) =	sbr.rel @!p0 .LBB2_25-.Ltmp3, $2  }
0x34: {  	_ =	sdelay $0x2  }
0x35: {  	[tilespmem:v5+s19+$0x0] =	vst.idx.msk $0xffff, v4  }
.LBB2_2:
0x36: {  	s24 =	sshll.u32 s22, $0x1  }
0x37: {  	s23 =	sor.u32 s3, s24  }
0x38: {  	s0 =	sor.u32 $0x1, s23  }
0x39: {  	s0 =	smin.u32 s0, s6  }
0x3a: {  	s25 =	sshll.u32 s0, $0x4  }
0x3b: {  	_ =	swait.ge [sflag:s14], $0x2000;
	s0 =	sshll.u32 s0, $0xA;
	s25 =	sand.u32 $0x70, s25  }
0x3c: {  	[sflag:s14] =	ssyncset.done $0x0;
	s0 =	sand.u32 $0xFE000, s0;
	s25 =	sadd.s32 s4, s25  }
0x3d: {  	s31 =	simm.s32 $0x100;
	[sflag:s14] =	ssyncadd.s32 $0xFFFFE000;
	s0 =	sadd.s32 s0, s25  }
0x3e: {  	[tilespmem:s15], [sflag:$0x2] =	stream.strided.gather [hbm4b:s0+s12], $0x2000, s13, s12, $0x38;
	[tilespmem:$0x11180] =	vst v63  }
0x3f: {  	v9 =	vld [tilespmem:s31+$0xC0]  }
0x40: {  	v4 =	vld [tilespmem:s31+$0xD0]  }
0x41: {  	v13 =	vld [tilespmem:s31+$0xE0]  }
0x42: {  	v10 =	vld [tilespmem:s31+$0x80]  }
0x43: {  	v5 =	vld [tilespmem:s31+$0x90]  }
0x44: {  	v14 =	vld [tilespmem:s31+$0xA0]  }
0x45: {  	v11 =	vld [tilespmem:s31+$0x40]  }
0x46: {  	v6 =	vld [tilespmem:s31+$0x50]  }
0x47: {  	v15 =	vld [tilespmem:s31+$0x60]  }
0x48: {  	v16 =	vld [tilespmem:s31+$0x0]  }
0x49: {  	v7 =	vld [tilespmem:s31+$0x10]  }
0x4a: {  	v17 =	vld [tilespmem:s31+$0x20]  }
0x4b: {  	v18 =	vld [tilespmem:s31+$0xFFFFFFC0]  }
0x4c: {  	v8 =	vld [tilespmem:s31+$0xFFFFFFD0]  }
0x4d: {  	v20 =	vld [tilespmem:s31+$0xFFFFFFE0]  }
0x4e: {  	v19 =	vld [tilespmem:s31+$0xFFFFFF80]  }
0x4f: {  	v22 =	vld [tilespmem:s31+$0xFFFFFF90]  }
0x50: {  	v21 =	vld [tilespmem:s31+$0xFFFFFFA0]  }
0x51: {  	v23 =	vld [tilespmem:s31+$0xFFFFFF40]  }
0x52: {  	v24 =	vld [tilespmem:s31+$0xFFFFFF50]  }
0x53: {  	v25 =	vld [tilespmem:s31+$0xFFFFFF60]  }
0x54: {  	v26 =	vld [tilespmem:s31+$0xFFFFFF00]  }
0x55: {  	v27 =	vld [tilespmem:s31+$0xFFFFFF10]  }
0x56: {  	v28 =	vld [tilespmem:s31+$0xFFFFFF20]  }
0x57: {  	v29 =	vld [tilespmem:s31+$0xFFFFFF30]  }
0x58: {  	v30 =	vld [tilespmem:s31+$0xFFFFFF70]  }
0x59: {  	v31 =	vimm.f32 $+Inf;
	v32 =	vld [tilespmem:s31+$0xFFFFFFB0]  }
0x5a: {  	v12 =	vld [tilespmem:s31+$0xFFFFFFF0];
	v11 =	vmin.f32 v11, v15;
	v10 =	vmin.f32 v10, v14;
	v9 =	vmin.f32 v9, v13  }
0x5b: {  	v19 =	vmin.f32 v19, v21;
	v15 =	vmin.f32 v18, v20;
	v14 =	vld [tilespmem:s31+$0x30];
	v13 =	vmin.f32 v16, v17  }
0x5c: {  	v17 =	vmin.f32 v26, v28;
	v18 =	vmin.f32 v27, v29;
	v20 =	vmin.f32 v23, v25;
	v16 =	vld [tilespmem:s31+$0x70]  }
0x5d: {  	v23 =	vmin.f32 v24, v30;
	v21 =	vmin.f32 v31, v17;
	v18 =	vmin.f32 v31, v18;
	v17 =	vld [tilespmem:s31+$0xB0]  }
0x5e: {  	s26 =	simm.s32 $0x300;
	s25 =	simm.s32 $0x0;
	v22 =	vmin.f32 v22, v32;
	v20 =	vmin.f32 v21, v20;
	v21 =	vmin.f32 v18, v23;
	v18 =	vld [tilespmem:s31+$0xF0]  }
.LBB2_3:
0x5f: {  	v23 =	vld [tilespmem:s26+$0xC0];
	v19 =	vmin.f32 v20, v19;
	v20 =	vmin.f32 v21, v22;
	v8 =	vmin.f32 v8, v12  }
0x60: {  	v12 =	vld [tilespmem:s26+$0xD0];
	v15 =	vmin.f32 v19, v15;
	v8 =	vmin.f32 v20, v8;
	v7 =	vmin.f32 v7, v14  }
0x61: {  	v14 =	vld [tilespmem:s26+$0xE0];
	v13 =	vmin.f32 v15, v13;
	v7 =	vmin.f32 v8, v7;
	v6 =	vmin.f32 v6, v16  }
0x62: {  	v15 =	vld [tilespmem:s26+$0x80];
	v8 =	vmin.f32 v13, v11;
	v6 =	vmin.f32 v7, v6;
	v7 =	vmin.f32 v5, v17  }
0x63: {  	v5 =	vld [tilespmem:s26+$0x90];
	v8 =	vmin.f32 v8, v10;
	v6 =	vmin.f32 v6, v7;
	v7 =	vmin.f32 v4, v18  }
0x64: {  	v10 =	vld [tilespmem:s26+$0xA0];
	v17 =	vmin.f32 v8, v9;
	v18 =	vmin.f32 v6, v7  }
0x65: {  	v9 =	vld [tilespmem:s26+$0x40];
	v4 =	vmov v12  }
0x66: {  	v6 =	vld [tilespmem:s26+$0x50]  }
0x67: {  	v11 =	vld [tilespmem:s26+$0x60]  }
0x68: {  	v13 =	vld [tilespmem:s26+$0x0]  }
0x69: {  	v7 =	vld [tilespmem:s26+$0x10]  }
0x6a: {  	v16 =	vld [tilespmem:s26+$0x20]  }
0x6b: {  	v20 =	vld [tilespmem:s26+$0xFFFFFFC0]  }
0x6c: {  	v8 =	vld [tilespmem:s26+$0xFFFFFFD0]  }
0x6d: {  	v21 =	vld [tilespmem:s26+$0xFFFFFFE0]  }
0x6e: {  	v19 =	vld [tilespmem:s26+$0xFFFFFF80]  }
0x6f: {  	v22 =	vld [tilespmem:s26+$0xFFFFFF90]  }
0x70: {  	v24 =	vld [tilespmem:s26+$0xFFFFFFA0]  }
0x71: {  	v25 =	vld [tilespmem:s26+$0xFFFFFF40]  }
0x72: {  	v26 =	vld [tilespmem:s26+$0xFFFFFF50]  }
0x73: {  	v27 =	vld [tilespmem:s26+$0xFFFFFF60]  }
0x74: {  	v28 =	vld [tilespmem:s26+$0xFFFFFF00]  }
0x75: {  	v29 =	vld [tilespmem:s26+$0xFFFFFF10]  }
0x76: {  	v30 =	vld [tilespmem:s26+$0xFFFFFF20]  }
0x77: {  	s25 =	sadd.s32 $0x8, s25;
	v31 =	vld [tilespmem:s26+$0xFFFFFF30]  }
0x78: {  	p0 =	slt.u32 s25, $0x78;
	v32 =	vld [tilespmem:s26+$0xFFFFFF70]  }
0x79: {  	v33 =	vld [tilespmem:s26+$0xFFFFFFB0]  }
.Ltmp4:
0x7a: {  	v10 =	vmin.f32 v15, v10;
	v11 =	vmin.f32 v9, v11;
	v9 =	vmin.f32 v23, v14;
	v12 =	vld [tilespmem:s26+$0xFFFFFFF0];
	(pc) =	sbr.rel @p0 .LBB2_3-.Ltmp4, $4  }
0x7b: {  	v13 =	vmin.f32 v13, v16;
	v15 =	vmin.f32 v20, v21;
	v19 =	vmin.f32 v19, v24;
	v14 =	vld [tilespmem:s26+$0x30]  }
0x7c: {  	v23 =	vmin.f32 v25, v27;
	v20 =	vmin.f32 v28, v30;
	v21 =	vmin.f32 v29, v31;
	v16 =	vld [tilespmem:s26+$0x70]  }
0x7d: {  	v20 =	vmin.f32 v17, v20;
	v18 =	vmin.f32 v18, v21;
	v21 =	vmin.f32 v26, v32;
	v17 =	vld [tilespmem:s26+$0xB0]  }
0x7e: {  	v20 =	vmin.f32 v20, v23;
	v21 =	vmin.f32 v18, v21;
	v22 =	vmin.f32 v22, v33;
	v18 =	vld [tilespmem:s26+$0xF0];
	s26 =	sadd.s32 $0x200, s26  }
0x7f: {  	v19 =	vmin.f32 v20, v19;
	v20 =	vmin.f32 v21, v22;
	v8 =	vmin.f32 v8, v12  }
0x80: {  	v12 =	vmin.f32 v19, v15;
	v8 =	vmin.f32 v20, v8;
	v7 =	vmin.f32 v7, v14  }
0x81: {  	v12 =	vmin.f32 v12, v13;
	v7 =	vmin.f32 v8, v7;
	v6 =	vmin.f32 v6, v16  }
0x82: {  	v8 =	vmin.f32 v12, v11;
	v6 =	vmin.f32 v7, v6;
	v5 =	vmin.f32 v5, v17  }
0x83: {  	v7 =	vmin.f32 v8, v10;
	v5 =	vmin.f32 v6, v5;
	v4 =	vmin.f32 v4, v18  }
0x84: {  	v6 =	vmin.f32 v7, v9;
	v4 =	vmin.f32 v5, v4  }
0x85: {  	v4 =	vmax.f32 v6, v4  }
0x86: {  	(xrf0) =	vmax.scan.msk.f32 $0xffff, v4  }
0x87: {  	s0 =	simm.s32 $0x40  }
0x88: {  	v20 =	vld [tilespmem:s0+$0x0]  }
0x89: {  	v13 =	vld [tilespmem:s0+$0xFFFFFFE0]  }
0x8a: {  	v8 =	vld [tilespmem:s0+$0xFFFFFFC0]  }
0x8b: {  	v10 =	vld [tilespmem:s0+$0xFFFFFFD0]  }
0x8c: {  	v18 =	vld [tilespmem:s0+$0xFFFFFFF0];
	v4, _, _ =	vpop (xrf0)  }
0x8d: {  	v17 =	vld [tilespmem:s0+$0x10];
	v6 =	vbroadcast v4, $0xF  }
0x8e: {  	v5 =	vld [tilespmem:s0+$0x30]  }
0x8f: {  	v7 =	vimm.s32 $0x0;
	vm5 =	vle.f32 v8, v6  }
0x90: {  	vm4 =	vle.f32 v10, v6;
	vm3 =	vle.f32 v13, v6;
	v9 =	vsel vm5, $0x1, v1  }
0x91: {  	vm0 =	vle.f32 v18, v6;
	vm1 =	vle.f32 v20, v6;
	v12 =	vsel vm4, $0x1, v1;
	(xrf0) =	vadd.scan.msk.s32 $0xffff, v9  }
0x92: {  	vm2 =	vle.f32 v17, v6;
	v11 =	vmpcnt.ones.xlane vm5;
	v14 =	vmpcnt.ones.xlane vm4;
	(xrf0) =	vadd.scan.msk.s32 $0xffff, v12  }
0x93: {  	v4 =	vld [tilespmem:s0+$0x20];
	vm8 =	vle.f32 v5, v6;
	v15 =	vmpcnt.ones.xlane vm3;
	v16 =	vmpcnt.ones.xlane vm0  }
0x94: {  	v19 =	vmpcnt.ones.xlane vm1;
	v21 =	vmpcnt.ones.xlane vm2;
	v22 =	vsel vm3, $0x1, v1  }
0x95: {  	v23 =	vsel vm0, $0x1, v1;
	v25 =	vsel vm1, $0x1, v1;
	v11 =	vadd.s32 v7, v11;
	(xrf0) =	vadd.scan.msk.s32 $0xffff, v22  }
0x96: {  	v28 =	vsel vm2, $0x1, v1;
	vm6 =	vmmov vm0;
	v14 =	vadd.s32 v11, v14  }
0x97: {  	vm11 =	vmmov vm1;
	vm2 =	vmmov vm2;
	v15 =	vadd.s32 v14, v15;
	(xrf0) =	vadd.scan.msk.s32 $0xffff, v23;
	v27, _, _ =	vpop (xrf0)  }
0x98: {  	vm7 =	vle.f32 v4, v6;
	v16 =	vadd.s32 v15, v16;
	(xrf0) =	vadd.scan.msk.s32 $0xffff, v25;
	v29, _, _ =	vpop (xrf0);
	v9 =	vsub.s32 v27, v9  }
0x99: {  	v19 =	vadd.s32 v16, v19;
	(xrf0) =	vadd.scan.msk.s32 $0xffff, v28;
	v12 =	vsub.s32 v29, v12;
	v29 =	vadd.s32 v7, v9  }
0x9a: {  	v24 =	vmpcnt.ones.xlane vm7;
	v30 =	vsel vm7, $0x1, v1;
	v26 =	vadd.s32 v19, v21  }
0x9b: {  	s25 =	simm.s32 $0xC0;
	v21 =	vmpcnt.ones.xlane vm8;
	v27 =	vsel vm8, $0x1, v1;
	(xrf0) =	vadd.scan.msk.s32 $0xffff, v30;
	v7, _, _ =	vpop (xrf0);
	v31 =	vadd.s32 v11, v12  }
0x9c: {  	vm0 =	vmmov vm8;
	v24 =	vadd.s32 v26, v24;
	(xrf0) =	vadd.scan.msk.s32 $0xffff, v27;
	v11 =	vsub.s32 v7, v22;
	v7 =	vld [tilespmem:s25+$0xFFFFFFC0]  }
0x9d: {  	s30 =	simm.s32 $0x0;
	s31 =	simm.s32 $0x10;
	vm1 =	vmmov vm7;
	v9 =	vadd.s32 v24, v21;
	v22 =	vadd.s32 v14, v11;
	v12, _, _ =	vpop (xrf0)  }
0x9e: {  	v21 =	vor.u32 s30, v0;
	v11 =	vld [tilespmem:s25+$0xFFFFFFD0];
	v12 =	vsub.s32 v12, v23;
	v14, _, _ =	vpop (xrf0);
	v23 =	vor.u32 s31, v0;
	s31 =	simm.s32 $0x50;
	[tilespmem:v29+s16+$0x0] =	vst.idx.msk vm5, v8  }
0x9f: {  	s26 =	simm.s32 $0x20;
	v32 =	vadd.s32 v15, v12;
	v12 =	vsub.s32 v14, v25;
	v14, _, _ =	vpop (xrf0);
	v25 =	vor.u32 s31, v0;
	[tilespmem:v29+s17+$0x0] =	vst.idx.msk vm5, v21  }
0xa0: {  	s29 =	simm.s32 $0x30;
	v8 =	vld [tilespmem:s25+$0xFFFFFFE0];
	v29 =	vor.u32 s26, v0;
	v33 =	vadd.s32 v16, v12;
	v14 =	vsub.s32 v14, v28;
	[tilespmem:v31+s16+$0x0] =	vst.idx.msk vm4, v10  }
0xa1: {  	s30 =	simm.s32 $0x40;
	v15, _, _ =	vpop (xrf0);
	v12 =	vld [tilespmem:s25+$0xFFFFFFF0];
	v28 =	vor.u32 s29, v0;
	vm5 =	vle.f32 v7, v6;
	v21 =	vadd.s32 v19, v14;
	[tilespmem:v31+s17+$0x0] =	vst.idx.msk vm4, v23  }
0xa2: {  	v10 =	vld [tilespmem:s25+$0x0];
	v14 =	vsub.s32 v15, v30;
	v15, _, _ =	vpop (xrf0);
	v30 =	vor.u32 s30, v0;
	[tilespmem:v22+s16+$0x0] =	vst.idx.msk vm3, v13;
	v23 =	vmpcnt.ones.xlane vm5  }
0xa3: {  	vm4 =	vle.f32 v11, v6;
	v13 =	vld [tilespmem:s25+$0x30];
	v19 =	vadd.s32 v26, v14;
	v15 =	vsub.s32 v15, v27  }
0xa4: {  	v14 =	vld [tilespmem:s25+$0x10];
	v26 =	vsel vm5, $0x1, v1;
	[tilespmem:v22+s17+$0x0] =	vst.idx.msk vm3, v29;
	v34 =	vsel vm4, $0x1, v1;
	v22 =	vmpcnt.ones.xlane vm4  }
0xa5: {  	v16 =	vadd.s32 v24, v15;
	v15 =	vld [tilespmem:s25+$0x20];
	(xrf0) =	vadd.scan.msk.s32 $0xffff, v26;
	v31 =	vadd.s32 v9, v23;
	vm3 =	vle.f32 v8, v6  }
0xa6: {  	(xrf0) =	vadd.scan.msk.s32 $0xffff, v34;
	v24 =	vadd.s32 v31, v22;
	[tilespmem:v32+s16+$0x0] =	vst.idx.msk vm6, v18;
	vm9 =	vle.f32 v12, v6  }
0xa7: {  	v23 =	vmpcnt.ones.xlane vm3;
	vm10 =	vle.f32 v10, v6;
	[tilespmem:v33+s16+$0x0] =	vst.idx.msk vm11, v20;
	v22 =	vmpcnt.ones.xlane vm9  }
0xa8: {  	v18 =	vmpcnt.ones.xlane vm10;
	vm7 =	vle.f32 v13, v6;
	[tilespmem:v33+s17+$0x0] =	vst.idx.msk vm11, v30;
	v33 =	vsel vm3, $0x1, v1  }
0xa9: {  	[tilespmem:v32+s17+$0x0] =	vst.idx.msk vm6, v28;
	v32 =	vsel vm9, $0x1, v1;
	v23 =	vadd.s32 v24, v23;
	vm8 =	vle.f32 v14, v6  }
0xaa: {  	v22 =	vadd.s32 v23, v22;
	v27 =	vmpcnt.ones.xlane vm8;
	vm6 =	vle.f32 v15, v6  }
0xab: {  	[tilespmem:v21+s16+$0x0] =	vst.idx.msk vm2, v17;
	v29 =	vsel vm10, $0x1, v1;
	v20 =	vadd.s32 v22, v18;
	v28 =	vmpcnt.ones.xlane vm6  }
0xac: {  	v30 =	vmpcnt.ones.xlane vm7;
	v35, _, _ =	vpop (xrf0);
	(xrf0) =	vadd.scan.msk.s32 $0xffff, v33;
	v18 =	vadd.s32 v20, v27;
	v27 =	vsel vm6, $0x1, v1  }
0xad: {  	v36, _, _ =	vpop (xrf0);
	(xrf0) =	vadd.scan.msk.s32 $0xffff, v32;
	v35 =	vsub.s32 v35, v26;
	v26 =	vsel vm7, $0x1, v1;
	v17 =	vadd.s32 v18, v28  }
0xae: {  	s28 =	simm.s32 $0x8;
	s26 =	simm.s32 $0x70;
	v28 =	vsel vm8, $0x1, v1;
	v34 =	vsub.s32 v36, v34;
	(xrf0) =	vadd.scan.msk.s32 $0xffff, v29;
	v30 =	vadd.s32 v17, v30  }
.LBB2_5:
0xaf: {  	s28 =	sadd.s32 $0x8, s28;
	v35 =	vadd.s32 v9, v35;
	v31 =	vadd.s32 v31, v34;
	(xrf0) =	vadd.scan.msk.s32 $0xffff, v28;
	[tilespmem:v21+s17+$0x0] =	vst.idx.msk vm2, v25;
	s0 =	sadd.s32 $0xFFFFFFF0, s26  }
0xb0: {  	v34 =	vmovc v14;
	p0 =	slt.u32 s28, $0x1F8;
	(xrf0) =	vadd.scan.msk.s32 $0xffff, v27;
	[tilespmem:v19+s16+$0x0] =	vst.idx.msk vm1, v4;
	v21 =	vor.u32 s0, v0;
	v4 =	vmov v15  }
0xb1: {  	v9 =	vmovc v30;
	vm12 =	vmmov vm9;
	vm11 =	vmmov vm10;
	(xrf0) =	vadd.scan.msk.s32 $0xffff, v26;
	[tilespmem:v19+s17+$0x0] =	vst.idx.msk vm1, v21  }
0xb2: {  	vm2 =	vmmov vm8;
	v15 =	vor.u32 s26, v0;
	s26 =	sadd.s32 $0x80, s26;
	v14, _, _ =	vpop (xrf0);
	[tilespmem:v16+s16+$0x0] =	vst.idx.msk vm0, v5;
	v5 =	vmov v13  }
0xb3: {  	s25 =	sadd.s32 $0x80, s25;
	s0 =	sadd.s32 $0xFFFFFF90, s26;
	vm1 =	vmmov vm6;
	v13 =	vsub.s32 v14, v33;
	v14, _, _ =	vpop (xrf0);
	[tilespmem:v16+s17+$0x0] =	vst.idx.msk vm0, v15;
	vm0 =	vmmov vm7  }
0xb4: {  	v15 =	vor.u32 s0, v0;
	s0 =	sadd.s32 $0xFFFFFFA0, s26;
	[tilespmem:v35+s16+$0x0] =	vst.idx.msk vm5, v7;
	v7 =	vld [tilespmem:s25+$0xFFFFFFC0];
	v13 =	vadd.s32 v24, v13;
	v14 =	vsub.s32 v14, v32;
	v16, _, _ =	vpop (xrf0)  }
0xb5: {  	v19 =	vor.u32 s0, v0;
	s0 =	sadd.s32 $0xFFFFFFB0, s26;
	v24 =	vld [tilespmem:s25+$0xFFFFFFD0];
	[tilespmem:v35+s17+$0x0] =	vst.idx.msk vm5, v15;
	v32 =	vadd.s32 v23, v14;
	v14 =	vsub.s32 v16, v29;
	v16, _, _ =	vpop (xrf0)  }
0xb6: {  	v23 =	vld [tilespmem:s25+$0xFFFFFFE0];
	[tilespmem:v31+s16+$0x0] =	vst.idx.msk vm4, v11;
	v11 =	vor.u32 s0, v0;
	s0 =	sadd.s32 $0xFFFFFFC0, s26;
	v29 =	vadd.s32 v22, v14;
	v14 =	vsub.s32 v16, v28;
	v16, _, _ =	vpop (xrf0)  }
0xb7: {  	v35 =	vld [tilespmem:s25+$0xFFFFFFF0];
	[tilespmem:v31+s17+$0x0] =	vst.idx.msk vm4, v19;
	v22 =	vor.u32 s0, v0;
	s0 =	sadd.s32 $0xFFFFFFD0, s26;
	v21 =	vadd.s32 v20, v14;
	v14 =	vsub.s32 v16, v27;
	v15, _, _ =	vpop (xrf0)  }
0xb8: {  	v36 =	vld [tilespmem:s25+$0x0];
	v27 =	vor.u32 s0, v0;
	s0 =	sadd.s32 $0xFFFFFFE0, s26;
	v19 =	vadd.s32 v18, v14;
	v15 =	vsub.s32 v15, v26  }
0xb9: {  	vm5 =	vle.f32 v7, v6;
	v14 =	vld [tilespmem:s25+$0x10];
	[tilespmem:v13+s16+$0x0] =	vst.idx.msk vm3, v8;
	v25 =	vor.u32 s0, v0;
	v16 =	vadd.s32 v17, v15  }
0xba: {  	v26 =	vsel vm5, $0x1, v1;
	v17 =	vmpcnt.ones.xlane vm5;
	vm4 =	vle.f32 v24, v6;
	v15 =	vld [tilespmem:s25+$0x20];
	[tilespmem:v13+s17+$0x0] =	vst.idx.msk vm3, v11;
	v11 =	vmovc v24  }
0xbb: {  	v37 =	vsel vm4, $0x1, v1;
	v18 =	vmpcnt.ones.xlane vm4;
	vm3 =	vle.f32 v23, v6;
	v13 =	vld [tilespmem:s25+$0x30];
	(xrf0) =	vadd.scan.msk.s32 $0xffff, v26;
	v8 =	vmovc v23  }
0xbc: {  	v31 =	vadd.s32 v30, v17;
	v17 =	vmpcnt.ones.xlane vm3;
	vm9 =	vle.f32 v35, v6;
	(xrf0) =	vadd.scan.msk.s32 $0xffff, v37  }
0xbd: {  	v24 =	vadd.s32 v31, v18;
	v18 =	vmpcnt.ones.xlane vm9;
	vm10 =	vle.f32 v36, v6;
	[tilespmem:v32+s16+$0x0] =	vst.idx.msk vm12, v12  }
0xbe: {  	v23 =	vadd.s32 v24, v17;
	v12 =	vmpcnt.ones.xlane vm10;
	vm8 =	vle.f32 v14, v6;
	[tilespmem:v32+s17+$0x0] =	vst.idx.msk vm12, v22  }
0xbf: {  	v22 =	vadd.s32 v23, v18;
	v17 =	vmpcnt.ones.xlane vm8;
	vm6 =	vle.f32 v15, v6;
	[tilespmem:v29+s16+$0x0] =	vst.idx.msk vm11, v10  }
.Ltmp5:
0xc0: {  	v20 =	vadd.s32 v22, v12;
	v28 =	vmpcnt.ones.xlane vm6;
	vm7 =	vle.f32 v13, v6;
	[tilespmem:v29+s17+$0x0] =	vst.idx.msk vm11, v27;
	(pc) =	sbr.rel @p0 .LBB2_5-.Ltmp5, $4  }
0xc1: {  	v33 =	vsel vm3, $0x1, v1;
	v18 =	vadd.s32 v20, v17;
	v39 =	vmpcnt.ones.xlane vm7;
	v38, _, _ =	vpop (xrf0);
	[tilespmem:v21+s16+$0x0] =	vst.idx.msk vm2, v34  }
0xc2: {  	v32 =	vsel vm9, $0x1, v1;
	v29 =	vsel vm10, $0x1, v1;
	v17 =	vadd.s32 v18, v28;
	v10, _, _ =	vpop (xrf0);
	(xrf0) =	vadd.scan.msk.s32 $0xffff, v33  }
0xc3: {  	v27 =	vsel vm6, $0x1, v1;
	v28 =	vsel vm8, $0x1, v1;
	v12 =	vmovc v35;
	v30 =	vadd.s32 v17, v39;
	(xrf0) =	vadd.scan.msk.s32 $0xffff, v32  }
0xc4: {  	v35 =	vsub.s32 v38, v26;
	v26 =	vsel vm7, $0x1, v1;
	v34 =	vsub.s32 v10, v37;
	v10 =	vmovc v36;
	(xrf0) =	vadd.scan.msk.s32 $0xffff, v29  }
0xc5: {  	(xrf0) =	vadd.scan.msk.s32 $0xffff, v28  }
0xc6: {  	v6 =	vxor.u32 $0x80000000, v30;
	(xrf0) =	vadd.scan.msk.s32 $0xffff, v27  }
0xc7: {  	(xrf0) =	vadd.scan.msk.s32 $0xffff, v26  }
0xc8: {  	v61, _, _ =	vpop (xrf0);
	(xrf0) =	vmax.scan.msk.u32 $0xffff, v6  }
0xc9: {  	v6, _, _ =	vpop (xrf0)  }
0xca: {  	v36, _, _ =	vpop (xrf0)  }
0xcb: {  	v37, _, _ =	vpop (xrf0)  }
0xcc: {  	v38, _, _ =	vpop (xrf0)  }
0xcd: {  	v39, _, _ =	vpop (xrf0)  }
0xce: {  	v40, _, _ =	vpop (xrf0)  }
0xcf: {  	(v2sf) =	vpush v40, $0xF;
	_ =	sdelay $0x2  }
0xd0: {  	[tilespmem:v21+s17+$0x0] =	vst.idx.msk vm2, v25;
	v9 =	vadd.s32 v9, v35;
	s0 =	sadd.s32 $0xFFFFFFF0, s26  }
0xd1: {  	[tilespmem:v19+s16+$0x0] =	vst.idx.msk vm1, v4;
	v4 =	vor.u32 s0, v0  }
0xd2: {  	[tilespmem:v19+s17+$0x0] =	vst.idx.msk vm1, v4;
	v4 =	vadd.s32 v31, v34  }
0xd3: {  	[tilespmem:v16+s16+$0x0] =	vst.idx.msk vm0, v5;
	v5 =	vor.u32 s26, v0;
	s0 =	sadd.s32 $0x80, s26;
	v62 =	vsub.s32 v61, v33  }
0xd4: {  	[tilespmem:v16+s17+$0x0] =	vst.idx.msk vm0, v5;
	s25 =	sadd.s32 $0xFFFFFF90, s0;
	v5 =	vadd.s32 v24, v62  }
0xd5: {  	[tilespmem:v9+s16+$0x0] =	vst.idx.msk vm5, v7;
	v7 =	vor.u32 s25, v0;
	v6 =	vsub.s32 v6, v32  }
0xd6: {  	s31 =	sadd.s32 $0xFFFFFFA0, s0;
	[tilespmem:v9+s17+$0x0] =	vst.idx.msk vm5, v7;
	v6 =	vadd.s32 v23, v6  }
0xd7: {  	v7 =	vor.u32 s31, v0;
	v63 =	vsub.s32 v36, v29;
	[tilespmem:v4+s16+$0x0] =	vst.idx.msk vm4, v11  }
0xd8: {  	s26 =	sadd.s32 $0xFFFFFFB0, s0;
	v9 =	vadd.s32 v22, v63;
	[tilespmem:v4+s17+$0x0] =	vst.idx.msk vm4, v7  }
0xd9: {  	v4 =	vor.u32 s26, v0;
	v7 =	vsub.s32 v37, v28;
	[tilespmem:v5+s16+$0x0] =	vst.idx.msk vm3, v8  }
0xda: {  	s29 =	sadd.s32 $0xFFFFFFC0, s0;
	v7 =	vadd.s32 v20, v7;
	[tilespmem:v5+s17+$0x0] =	vst.idx.msk vm3, v4  }
0xdb: {  	v4 =	vor.u32 s29, v0;
	v5 =	vsub.s32 v38, v27;
	[tilespmem:v6+s16+$0x0] =	vst.idx.msk vm9, v12  }
0xdc: {  	s30 =	sadd.s32 $0xFFFFFFD0, s0;
	v5 =	vadd.s32 v18, v5;
	[tilespmem:v6+s17+$0x0] =	vst.idx.msk vm9, v4;
	s26 =	spop (v2sf)  }
0xdd: {  	v4 =	vor.u32 s30, v0;
	v6 =	vsub.s32 v39, v26;
	[tilespmem:v9+s16+$0x0] =	vst.idx.msk vm10, v10;
	s31 =	sadd.s32 $0x8000000F, s26  }
0xde: {  	s28 =	sadd.s32 $0xFFFFFFE0, s0;
	s30 =	sadd.s32 $0xFFFFFFF0, s0;
	v6 =	vadd.s32 v17, v6;
	[tilespmem:v9+s17+$0x0] =	vst.idx.msk vm10, v4;
	s29 =	sand.u32 $0xF, s31  }
0xdf: {  	v4 =	vor.u32 s28, v0;
	[tilespmem:v7+s16+$0x0] =	vst.idx.msk vm8, v14;
	s28 =	sshra.s32 s31, $0x1F;
	p0 =	slt.s32 s31, $0x1;
	p1 =	sne.s32 s29, $0x0  }
.Ltmp6:
0xe0: {  	[tilespmem:v7+s17+$0x0] =	vst.idx.msk vm8, v4;
	s28 =	sshrl.u32 s28, $0x1C;
	p0 =	por !p0, !p1;
	(pc) =	sbr.rel .LBB2_7-.Ltmp6, $4  }
0xe1: {  	v4 =	vor.u32 s30, v0;
	[tilespmem:v5+s16+$0x0] =	vst.idx.msk vm6, v15;
	s25 =	sadd.s32 s28, s31;
	s28 =	simm.s32 $0x1;
	p0 =	por !p0, !p0  }
0xe2: {  	vm12 =	vmmov vm9;
	[tilespmem:v5+s17+$0x0] =	vst.idx.msk vm6, v4;
	s25 =	sshra.s32 s25, $0x4;
	s28 =	simm.s32 @!p0 $0x0  }
0xe3: {  	vm13 =	vmmov vm10;
	vm14 =	vmmov vm8;
	v4 =	vor.u32 s0, v0;
	[tilespmem:v6+s16+$0x0] =	vst.idx.msk vm7, v13;
	s31 =	sxor.u32 $0x80000000, s26;
	s25 =	ssub.s32 s25, s28  }
0xe4: {  	vm15 =	vmmov vm6;
	vm0 =	vmmov vm7;
	[tilespmem:v6+s17+$0x0] =	vst.idx.msk vm7, v4;
	s26 =	simm.s32 $0x0;
	v4 =	vmov s31;
	s28 =	simm.s32 $0x0;
	p0 =	slt.s32 s25, $0x1  }
.LBB2_8:
0xe5: {  	v6 =	vimm.s32 $0xC0000000  }
.LBB2_12:
0xe6: {  	(xrf0) =	vmin.scan.msk.f32 $0xffff, v5;
	_ =	sdelay $0x5  }
0xe7: {  	v7, _, _ =	vpop (xrf0)  }
0xe8: {  	v7 =	vbroadcast v7, $0xF;
	_ =	sdelay $0x1  }
0xe9: {  	vm0 =	veq.f32 v5, v7  }
0xea: {  	v5 =	vnsel vm0, $0xC0000000, v6  }
0xeb: {  	(xrf0) =	vmin.scan.msk.u32 $0xffff, v5;
	_ =	sdelay $0x5  }
0xec: {  	v5, _, _ =	vpop (xrf0)  }
0xed: {  	(v2sf) =	vpush v5, $0xF;
	_ =	sdelay $0xa  }
0xee: {  	v5 =	vand.u32 $0x3FFF, v5  }
0xef: {  	v5 =	vbroadcast v5, $0xF  }
0xf0: {  	v6 =	vmov s28;
	s28 =	sadd.s32 $0x1, s28  }
0xf1: {  	p1 =	sne.s32 s28, $0x20  }
.Ltmp7:
0xf2: {  	s0 =	spop (v2sf);
	(pc) =	sbr.rel @!p1 .LBB2_13-.Ltmp7, $4  }
0xf3: {  	s0 =	sshra.s32 s0, $0xE  }
0xf4: {  	s0 =	sxor.u32 $0xFFFE0000, s0  }
0xf5: {  	[tilespmem:v5+s16+$0x0] =	vst.idx.msk $0x1, v2;
	v5 =	vmov s0  }
0xf6: {  	[tilespmem:v6+s18+$0x0] =	vst.idx.msk $0x1, v5  }
.LBB2_7:
.Ltmp8:
0xf7: {  	(pc) =	sbr.rel @p0 .LBB2_8-.Ltmp8, $2  }
0xf8: {  	_ =	sdelay $0x2  }
0xf9: {  	v5 =	vimm.f32 $+Inf  }
0xfa: {  	s0 =	simm.s32 $0xE080  }
0xfb: {  	p1 =	sne.s32 s25, $0x1;
	v9 =	vld [tilespmem:s0+$0x0]  }
.Ltmp9:
0xfc: {  	s29 =	simm.s32 $0xC000;
	(pc) =	sbr.rel @!p1 .LBB2_11-.Ltmp9, $2  }
0xfd: {  	v7 =	vld [tilespmem:s29+$0x0];
	_ =	sdelay $0x2  }
0xfe: {  	v6 =	vimm.s32 $0x40000000;
	s30 =	sadd.s32 $0xFFFFFFFF, s25;
	v8 =	vor.u32 s26, v0;
	s31 =	simm.s32 $0xE090;
	s0 =	simm.s32 $0x0;
	v9 =	vshll.u32 v9, $0xE  }
.LBB2_10:
0xff: {  	v10 =	vld [tilespmem:s31+$0x0];
	vm0 =	vlt.s32 v8, v4;
	v8 =	vadd.s32 v8, v9;
	p1 =	sne.s32 s30, $0x1  }
.Ltmp10:
0x100: {  	s29 =	sadd.s32 $0x10, s29;
	v9 =	vnsel vm0, $0x7F800000, v7;
	(pc) =	sbr.rel @p1 .LBB2_10-.Ltmp10, $4  }
0x101: {  	s30 =	sadd.s32 $0xFFFFFFFF, s30;
	v7 =	vld [tilespmem:s29+$0x0];
	vm0 =	vlt.f32 v9, v5  }
0x102: {  	v5 =	vsel vm0, v9, v5;
	v6 =	vsel vm0, v8, v6  }
0x103: {  	s0 =	sadd.s32 $0x10, s0  }
0x104: {  	s31 =	sadd.s32 $0x10, s31;
	v8 =	vor.u32 s0, v0;
	v9 =	vshll.u32 v10, $0xE  }
.LBB2_11:
.Ltmp11:
0x105: {  	vm0 =	vlt.s32 v8, v4;
	(pc) =	sbr.rel .LBB2_12-.Ltmp11, $4  }
0x106: {  	v7 =	vnsel vm0, $0x7F800000, v7  }
0x107: {  	v8 =	vadd.s32 v8, v9;
	vm0 =	vlt.f32 v7, v5  }
0x108: {  	v6 =	vsel vm0, v8, v6  }
0x109: {  	v5 =	vsel vm0, v7, v5;
	v6 =	vxor.u32 $0x80000000, v6  }
.LBB2_13:
0x10a: {  	v4 =	vld [tilespmem:$0x10100];
	_ =	sdelay $0x4  }
0x10b: {  	v5 =	vshll.u32 v4, $0x2  }
0x10c: {  	v4 =	vand.u32 $0x7F, v4;
	v5 =	vand.u32 $0xFFFFFE00, v5  }
0x10d: {  	v5 =	vor.u32 v4, v5;
	_ =	sdelay $0x3  }
0x10e: {  	s24 =	sshll.u32 s24, $0x7  }
0x10f: {  	v6 =	vor.u32 s24, v3;
	v4 =	vld.idx.msk [tilespmem:v5+s10+$0x0], $0xffff  }
0x110: {  	v7 =	vor.u32 $0x80, v5;
	_ =	sdelay $0x3  }
0x111: {  	[tilespmem:v6+s19+$0x0] =	vst.idx.msk $0xffff, v4;
	v4 =	vadd.s32 $0x1, v3  }
0x112: {  	v6 =	vld.idx.msk [tilespmem:v7+s10+$0x0], $0xffff;
	v7 =	vor.u32 s24, v4  }
0x113: {  	v8 =	vor.u32 $0x100, v5;
	_ =	sdelay $0x3  }
0x114: {  	v5 =	vadd.s32 $0x2, v3;
	[tilespmem:v7+s19+$0x0] =	vst.idx.msk $0xffff, v6  }
0x115: {  	v7 =	vor.u32 s24, v5;
	v6 =	vld.idx.msk [tilespmem:v8+s10+$0x0], $0xffff;
	_ =	sdelay $0x4  }
0x116: {  	[tilespmem:v7+s19+$0x0] =	vst.idx.msk $0xffff, v6  }
0x117: {  	v6 =	vld [tilespmem:$0x10110];
	_ =	sdelay $0x4  }
0x118: {  	v7 =	vshll.u32 v6, $0x2  }
0x119: {  	v6 =	vand.u32 $0x7F, v6;
	v7 =	vand.u32 $0xFFFFFE00, v7  }
0x11a: {  	v8 =	vor.u32 v6, v7;
	_ =	sdelay $0x3  }
0x11b: {  	v6 =	vadd.s32 $0x30, v3  }
0x11c: {  	v9 =	vor.u32 s24, v6;
	v7 =	vld.idx.msk [tilespmem:v8+s10+$0x0], $0xffff  }
0x11d: {  	v10 =	vor.u32 $0x80, v8;
	_ =	sdelay $0x3  }
0x11e: {  	[tilespmem:v9+s19+$0x0] =	vst.idx.msk $0xffff, v7;
	v7 =	vadd.s32 $0x31, v3  }
0x11f: {  	v9 =	vld.idx.msk [tilespmem:v10+s10+$0x0], $0xffff;
	v10 =	vor.u32 s24, v7  }
0x120: {  	v11 =	vor.u32 $0x100, v8;
	_ =	sdelay $0x3  }
0x121: {  	v8 =	vadd.s32 $0x32, v3;
	[tilespmem:v10+s19+$0x0] =	vst.idx.msk $0xffff, v9  }
0x122: {  	v10 =	vor.u32 s24, v8;
	v9 =	vld.idx.msk [tilespmem:v11+s10+$0x0], $0xffff;
	_ =	sdelay $0x2  }
0x123: {  	s0 =	sadd.s32 $0x2, s23  }
0x124: {  	s0 =	smin.u32 s0, s6  }
0x125: {  	s30 =	sshll.u32 s0, $0x4;
	[tilespmem:v10+s19+$0x0] =	vst.idx.msk $0xffff, v9  }
0x126: {  	s0 =	sshll.u32 s0, $0xA;
	s23 =	sand.u32 $0x70, s30;
	_ =	swait.ge [sflag:s20], $0x2000  }
0x127: {  	s0 =	sand.u32 $0xFE000, s0;
	s23 =	sadd.s32 s4, s23;
	[sflag:s20] =	ssyncset.done $0x0  }
0x128: {  	s31 =	simm.s32 $0x2100;
	s0 =	sadd.s32 s0, s23;
	[sflag:s20] =	ssyncadd.s32 $0xFFFFE000  }
0x129: {  	[tilespmem:s2], [sflag:$0x1] =	stream.strided.gather [hbm4b:s0+s12], $0x2000, s13, s12, $0x38;
	[tilespmem:$0x11180] =	vst v63  }
0x12a: {  	v14 =	vld [tilespmem:s31+$0xC0]  }
0x12b: {  	v9 =	vld [tilespmem:s31+$0xD0]  }
0x12c: {  	v18 =	vld [tilespmem:s31+$0xE0]  }
0x12d: {  	v15 =	vld [tilespmem:s31+$0x80]  }
0x12e: {  	v10 =	vld [tilespmem:s31+$0x90]  }
0x12f: {  	v19 =	vld [tilespmem:s31+$0xA0]  }
0x130: {  	v16 =	vld [tilespmem:s31+$0x40]  }
0x131: {  	v11 =	vld [tilespmem:s31+$0x50]  }
0x132: {  	v20 =	vld [tilespmem:s31+$0x60]  }
0x133: {  	v21 =	vld [tilespmem:s31+$0x0]  }
0x134: {  	v12 =	vld [tilespmem:s31+$0x10]  }
0x135: {  	v22 =	vld [tilespmem:s31+$0x20]  }
0x136: {  	v23 =	vld [tilespmem:s31+$0xFFFFFFC0]  }
0x137: {  	v13 =	vld [tilespmem:s31+$0xFFFFFFD0]  }
0x138: {  	v25 =	vld [tilespmem:s31+$0xFFFFFFE0]  }
0x139: {  	v24 =	vld [tilespmem:s31+$0xFFFFFF80]  }
0x13a: {  	v27 =	vld [tilespmem:s31+$0xFFFFFF90]  }
0x13b: {  	v26 =	vld [tilespmem:s31+$0xFFFFFFA0]  }
0x13c: {  	v28 =	vld [tilespmem:s31+$0xFFFFFF40]  }
0x13d: {  	v29 =	vld [tilespmem:s31+$0xFFFFFF50]  }
0x13e: {  	v30 =	vld [tilespmem:s31+$0xFFFFFF60]  }
0x13f: {  	v31 =	vld [tilespmem:s31+$0xFFFFFF00]  }
0x140: {  	v32 =	vld [tilespmem:s31+$0xFFFFFF10]  }
0x141: {  	v33 =	vld [tilespmem:s31+$0xFFFFFF20]  }
0x142: {  	v34 =	vld [tilespmem:s31+$0xFFFFFF30]  }
0x143: {  	v35 =	vld [tilespmem:s31+$0xFFFFFF70]  }
0x144: {  	v36 =	vimm.f32 $+Inf;
	v37 =	vld [tilespmem:s31+$0xFFFFFFB0]  }
0x145: {  	v17 =	vld [tilespmem:s31+$0xFFFFFFF0];
	v16 =	vmin.f32 v16, v20;
	v15 =	vmin.f32 v15, v19;
	v14 =	vmin.f32 v14, v18  }
0x146: {  	v24 =	vmin.f32 v24, v26;
	v20 =	vmin.f32 v23, v25;
	v19 =	vld [tilespmem:s31+$0x30];
	v18 =	vmin.f32 v21, v22  }
0x147: {  	v22 =	vmin.f32 v31, v33;
	v23 =	vmin.f32 v32, v34;
	v25 =	vmin.f32 v28, v30;
	v21 =	vld [tilespmem:s31+$0x70]  }
0x148: {  	v28 =	vmin.f32 v29, v35;
	v26 =	vmin.f32 v36, v22;
	v23 =	vmin.f32 v36, v23;
	v22 =	vld [tilespmem:s31+$0xB0]  }
0x149: {  	s25 =	simm.s32 $0x2300;
	s23 =	simm.s32 $0x0;
	v27 =	vmin.f32 v27, v37;
	v25 =	vmin.f32 v26, v25;
	v26 =	vmin.f32 v23, v28;
	v23 =	vld [tilespmem:s31+$0xF0]  }
.LBB2_14:
0x14a: {  	v28 =	vld [tilespmem:s25+$0xC0];
	v24 =	vmin.f32 v25, v24;
	v25 =	vmin.f32 v26, v27;
	v13 =	vmin.f32 v13, v17  }
0x14b: {  	v17 =	vld [tilespmem:s25+$0xD0];
	v20 =	vmin.f32 v24, v20;
	v13 =	vmin.f32 v25, v13;
	v12 =	vmin.f32 v12, v19  }
0x14c: {  	v19 =	vld [tilespmem:s25+$0xE0];
	v18 =	vmin.f32 v20, v18;
	v12 =	vmin.f32 v13, v12;
	v11 =	vmin.f32 v11, v21  }
0x14d: {  	v20 =	vld [tilespmem:s25+$0x80];
	v13 =	vmin.f32 v18, v16;
	v11 =	vmin.f32 v12, v11;
	v12 =	vmin.f32 v10, v22  }
0x14e: {  	v10 =	vld [tilespmem:s25+$0x90];
	v13 =	vmin.f32 v13, v15;
	v11 =	vmin.f32 v11, v12;
	v12 =	vmin.f32 v9, v23  }
0x14f: {  	v15 =	vld [tilespmem:s25+$0xA0];
	v22 =	vmin.f32 v13, v14;
	v23 =	vmin.f32 v11, v12  }
0x150: {  	v14 =	vld [tilespmem:s25+$0x40];
	v9 =	vmov v17  }
0x151: {  	v11 =	vld [tilespmem:s25+$0x50]  }
0x152: {  	v16 =	vld [tilespmem:s25+$0x60]  }
0x153: {  	v18 =	vld [tilespmem:s25+$0x0]  }
0x154: {  	v12 =	vld [tilespmem:s25+$0x10]  }
0x155: {  	v21 =	vld [tilespmem:s25+$0x20]  }
0x156: {  	v25 =	vld [tilespmem:s25+$0xFFFFFFC0]  }
0x157: {  	v13 =	vld [tilespmem:s25+$0xFFFFFFD0]  }
0x158: {  	v26 =	vld [tilespmem:s25+$0xFFFFFFE0]  }
0x159: {  	v24 =	vld [tilespmem:s25+$0xFFFFFF80]  }
0x15a: {  	v27 =	vld [tilespmem:s25+$0xFFFFFF90]  }
0x15b: {  	v29 =	vld [tilespmem:s25+$0xFFFFFFA0]  }
0x15c: {  	v30 =	vld [tilespmem:s25+$0xFFFFFF40]  }
0x15d: {  	v31 =	vld [tilespmem:s25+$0xFFFFFF50]  }
0x15e: {  	v32 =	vld [tilespmem:s25+$0xFFFFFF60]  }
0x15f: {  	v33 =	vld [tilespmem:s25+$0xFFFFFF00]  }
0x160: {  	v34 =	vld [tilespmem:s25+$0xFFFFFF10]  }
0x161: {  	v35 =	vld [tilespmem:s25+$0xFFFFFF20]  }
0x162: {  	s23 =	sadd.s32 $0x8, s23;
	v36 =	vld [tilespmem:s25+$0xFFFFFF30]  }
0x163: {  	p0 =	slt.u32 s23, $0x78;
	v37 =	vld [tilespmem:s25+$0xFFFFFF70]  }
0x164: {  	v38 =	vld [tilespmem:s25+$0xFFFFFFB0]  }
.Ltmp12:
0x165: {  	v15 =	vmin.f32 v20, v15;
	v16 =	vmin.f32 v14, v16;
	v14 =	vmin.f32 v28, v19;
	v17 =	vld [tilespmem:s25+$0xFFFFFFF0];
	(pc) =	sbr.rel @p0 .LBB2_14-.Ltmp12, $4  }
0x166: {  	v18 =	vmin.f32 v18, v21;
	v20 =	vmin.f32 v25, v26;
	v24 =	vmin.f32 v24, v29;
	v19 =	vld [tilespmem:s25+$0x30]  }
0x167: {  	v28 =	vmin.f32 v30, v32;
	v25 =	vmin.f32 v33, v35;
	v26 =	vmin.f32 v34, v36;
	v21 =	vld [tilespmem:s25+$0x70]  }
0x168: {  	v25 =	vmin.f32 v22, v25;
	v23 =	vmin.f32 v23, v26;
	v26 =	vmin.f32 v31, v37;
	v22 =	vld [tilespmem:s25+$0xB0]  }
0x169: {  	v25 =	vmin.f32 v25, v28;
	v26 =	vmin.f32 v23, v26;
	v27 =	vmin.f32 v27, v38;
	v23 =	vld [tilespmem:s25+$0xF0];
	s25 =	sadd.s32 $0x200, s25  }
0x16a: {  	v24 =	vmin.f32 v25, v24;
	v25 =	vmin.f32 v26, v27;
	v13 =	vmin.f32 v13, v17  }
0x16b: {  	v17 =	vmin.f32 v24, v20;
	v13 =	vmin.f32 v25, v13;
	v12 =	vmin.f32 v12, v19  }
0x16c: {  	v17 =	vmin.f32 v17, v18;
	v12 =	vmin.f32 v13, v12;
	v11 =	vmin.f32 v11, v21  }
0x16d: {  	v13 =	vmin.f32 v17, v16;
	v11 =	vmin.f32 v12, v11;
	v10 =	vmin.f32 v10, v22  }
0x16e: {  	v12 =	vmin.f32 v13, v15;
	v10 =	vmin.f32 v11, v10;
	v9 =	vmin.f32 v9, v23  }
0x16f: {  	v11 =	vmin.f32 v12, v14;
	v9 =	vmin.f32 v10, v9  }
0x170: {  	v9 =	vmax.f32 v11, v9  }
0x171: {  	(xrf0) =	vmax.scan.msk.f32 $0xffff, v9;
	_ =	sdelay $0x1  }
0x172: {  	s0 =	simm.s32 $0x2040  }
0x173: {  	v25 =	vld [tilespmem:s0+$0x0]  }
0x174: {  	v13 =	vld [tilespmem:s0+$0xFFFFFFC0]  }
0x175: {  	v18 =	vld [tilespmem:s0+$0xFFFFFFE0]  }
0x176: {  	v15 =	vld [tilespmem:s0+$0xFFFFFFD0];
	v9, _, _ =	vpop (xrf0)  }
0x177: {  	v23 =	vld [tilespmem:s0+$0xFFFFFFF0];
	v11 =	vbroadcast v9, $0xF  }
0x178: {  	s28 =	simm.s32 $0x20;
	v22 =	vld [tilespmem:s0+$0x10]  }
0x179: {  	s29 =	simm.s32 $0x30;
	s30 =	simm.s32 $0x40;
	v58 =	vor.u32 s28, v0;
	vm5 =	vle.f32 v13, v11  }
0x17a: {  	v59 =	vor.u32 s29, v0;
	v60 =	vor.u32 s30, v0;
	v10 =	vld [tilespmem:s0+$0x30];
	v14 =	vsel vm5, $0x1, v1  }
0x17b: {  	v12 =	vimm.s32 $0x0;
	vm4 =	vle.f32 v15, v11;
	vm3 =	vle.f32 v18, v11;
	(xrf0) =	vadd.scan.msk.s32 $0xffff, v14  }
0x17c: {  	vm0 =	vle.f32 v23, v11;
	vm1 =	vle.f32 v25, v11;
	v17 =	vsel vm4, $0x1, v1  }
0x17d: {  	vm2 =	vle.f32 v22, v11;
	v16 =	vmpcnt.ones.xlane vm5;
	v19 =	vmpcnt.ones.xlane vm4;
	(xrf0) =	vadd.scan.msk.s32 $0xffff, v17  }
0x17e: {  	v9 =	vld [tilespmem:s0+$0x20];
	v20 =	vmpcnt.ones.xlane vm3;
	v21 =	vmpcnt.ones.xlane vm0;
	v27 =	vsel vm3, $0x1, v1  }
0x17f: {  	vm8 =	vle.f32 v10, v11;
	v24 =	vmpcnt.ones.xlane vm1;
	v26 =	vmpcnt.ones.xlane vm2;
	(xrf0) =	vadd.scan.msk.s32 $0xffff, v27  }
0x180: {  	v28 =	vsel vm0, $0x1, v1;
	v30 =	vsel vm1, $0x1, v1;
	v33 =	vsel vm2, $0x1, v1  }
0x181: {  	v56 =	vsel vm8, $0x1, v1;
	vm6 =	vmmov vm0;
	v16 =	vadd.s32 v12, v16;
	(xrf0) =	vadd.scan.msk.s32 $0xffff, v28;
	v32, _, _ =	vpop (xrf0)  }
0x182: {  	vm11 =	vmmov vm1;
	v19 =	vadd.s32 v16, v19;
	(xrf0) =	vadd.scan.msk.s32 $0xffff, v30;
	v14 =	vsub.s32 v32, v14  }
0x183: {  	vm7 =	vle.f32 v9, v11;
	v20 =	vadd.s32 v19, v20;
	v34, _, _ =	vpop (xrf0);
	v57 =	vadd.s32 v12, v14  }
0x184: {  	v35 =	vsel vm7, $0x1, v1;
	v21 =	vadd.s32 v20, v21;
	(xrf0) =	vadd.scan.msk.s32 $0xffff, v33;
	v17 =	vsub.s32 v34, v17  }
0x185: {  	s23 =	simm.s32 $0x20C0;
	v29 =	vmpcnt.ones.xlane vm7;
	v24 =	vadd.s32 v21, v24;
	(xrf0) =	vadd.scan.msk.s32 $0xffff, v35;
	v12, _, _ =	vpop (xrf0);
	v36 =	vadd.s32 v16, v17  }
0x186: {  	v31 =	vadd.s32 v24, v26;
	v26 =	vmpcnt.ones.xlane vm8;
	(xrf0) =	vadd.scan.msk.s32 $0xffff, v56;
	v16 =	vsub.s32 v12, v27;
	v12 =	vld [tilespmem:s23+$0xFFFFFFC0]  }
0x187: {  	s25 =	simm.s32 $0x0;
	vm2 =	vmmov vm2;
	v29 =	vadd.s32 v31, v29;
	v27 =	vadd.s32 v19, v16;
	v17, _, _ =	vpop (xrf0)  }
0x188: {  	v14 =	vadd.s32 v29, v26;
	v26 =	vor.u32 s25, v0;
	v16 =	vld [tilespmem:s23+$0xFFFFFFD0];
	v17 =	vsub.s32 v17, v28;
	v19, _, _ =	vpop (xrf0);
	[tilespmem:v57+s16+$0x0] =	vst.idx.msk vm5, v13  }
0x189: {  	s26 =	simm.s32 $0x10;
	vm0 =	vmmov vm8;
	v37 =	vadd.s32 v20, v17;
	v17 =	vsub.s32 v19, v30;
	[tilespmem:v57+s17+$0x0] =	vst.idx.msk vm5, v26  }
0x18a: {  	s31 =	simm.s32 $0x50;
	vm1 =	vmmov vm7;
	v28 =	vor.u32 s26, v0;
	v19, _, _ =	vpop (xrf0);
	v13 =	vld [tilespmem:s23+$0xFFFFFFE0];
	v38 =	vadd.s32 v21, v17;
	[tilespmem:v36+s16+$0x0] =	vst.idx.msk vm4, v15  }
0x18b: {  	v30 =	vor.u32 s31, v0;
	v19 =	vsub.s32 v19, v33;
	v20, _, _ =	vpop (xrf0);
	v17 =	vld [tilespmem:s23+$0xFFFFFFF0];
	vm5 =	vle.f32 v12, v11;
	[tilespmem:v36+s17+$0x0] =	vst.idx.msk vm4, v28  }
0x18c: {  	v15 =	vld [tilespmem:s23+$0x0];
	v26 =	vadd.s32 v24, v19;
	v19 =	vsub.s32 v20, v35;
	v20, _, _ =	vpop (xrf0);
	[tilespmem:v27+s16+$0x0] =	vst.idx.msk vm3, v18;
	v28 =	vmpcnt.ones.xlane vm5  }
0x18d: {  	vm4 =	vle.f32 v16, v11;
	v18 =	vld [tilespmem:s23+$0x30];
	v24 =	vadd.s32 v31, v19;
	v20 =	vsub.s32 v20, v56  }
0x18e: {  	v19 =	vld [tilespmem:s23+$0x10];
	v31 =	vsel vm5, $0x1, v1;
	[tilespmem:v27+s17+$0x0] =	vst.idx.msk vm3, v58;
	v39 =	vsel vm4, $0x1, v1;
	v27 =	vmpcnt.ones.xlane vm4  }
0x18f: {  	v21 =	vadd.s32 v29, v20;
	v20 =	vld [tilespmem:s23+$0x20];
	(xrf0) =	vadd.scan.msk.s32 $0xffff, v31;
	v36 =	vadd.s32 v14, v28;
	vm3 =	vle.f32 v13, v11  }
0x190: {  	(xrf0) =	vadd.scan.msk.s32 $0xffff, v39;
	v29 =	vadd.s32 v36, v27;
	[tilespmem:v37+s16+$0x0] =	vst.idx.msk vm6, v23;
	vm9 =	vle.f32 v17, v11  }
0x191: {  	v28 =	vmpcnt.ones.xlane vm3;
	vm10 =	vle.f32 v15, v11;
	[tilespmem:v38+s16+$0x0] =	vst.idx.msk vm11, v25;
	v27 =	vmpcnt.ones.xlane vm9  }
0x192: {  	v23 =	vmpcnt.ones.xlane vm10;
	vm7 =	vle.f32 v18, v11;
	[tilespmem:v38+s17+$0x0] =	vst.idx.msk vm11, v60;
	v38 =	vsel vm3, $0x1, v1  }
0x193: {  	[tilespmem:v37+s17+$0x0] =	vst.idx.msk vm6, v59;
	v37 =	vsel vm9, $0x1, v1;
	v28 =	vadd.s32 v29, v28;
	vm8 =	vle.f32 v19, v11  }
0x194: {  	v27 =	vadd.s32 v28, v27;
	v61 =	vmpcnt.ones.xlane vm8;
	vm6 =	vle.f32 v20, v11  }
0x195: {  	[tilespmem:v26+s16+$0x0] =	vst.idx.msk vm2, v22;
	v34 =	vsel vm10, $0x1, v1;
	v25 =	vadd.s32 v27, v23;
	v62 =	vmpcnt.ones.xlane vm6  }
0x196: {  	v63 =	vmpcnt.ones.xlane vm7;
	v33 =	vsel vm8, $0x1, v1;
	v40, _, _ =	vpop (xrf0);
	(xrf0) =	vadd.scan.msk.s32 $0xffff, v38;
	v23 =	vadd.s32 v25, v61  }
0x197: {  	v32 =	vsel vm6, $0x1, v1;
	v41, _, _ =	vpop (xrf0);
	(xrf0) =	vadd.scan.msk.s32 $0xffff, v37;
	v40 =	vsub.s32 v40, v31;
	v22 =	vadd.s32 v23, v62  }
0x198: {  	s25 =	simm.s32 $0x70;
	s26 =	simm.s32 $0x8;
	v31 =	vsel vm7, $0x1, v1;
	v39 =	vsub.s32 v41, v39;
	(xrf0) =	vadd.scan.msk.s32 $0xffff, v34;
	v35 =	vadd.s32 v22, v63  }
.LBB2_16:
0x199: {  	s26 =	sadd.s32 $0x8, s26;
	v40 =	vadd.s32 v14, v40;
	v36 =	vadd.s32 v36, v39;
	(xrf0) =	vadd.scan.msk.s32 $0xffff, v33;
	[tilespmem:v26+s17+$0x0] =	vst.idx.msk vm2, v30;
	s0 =	sadd.s32 $0xFFFFFFF0, s25  }
0x19a: {  	v39 =	vmovc v19;
	p0 =	slt.u32 s26, $0x1F8;
	(xrf0) =	vadd.scan.msk.s32 $0xffff, v32;
	[tilespmem:v24+s16+$0x0] =	vst.idx.msk vm1, v9;
	v26 =	vor.u32 s0, v0;
	v9 =	vmov v20  }
0x19b: {  	v14 =	vmovc v35;
	vm12 =	vmmov vm9;
	vm11 =	vmmov vm10;
	(xrf0) =	vadd.scan.msk.s32 $0xffff, v31;
	[tilespmem:v24+s17+$0x0] =	vst.idx.msk vm1, v26  }
0x19c: {  	vm2 =	vmmov vm8;
	v20 =	vor.u32 s25, v0;
	s25 =	sadd.s32 $0x80, s25;
	v19, _, _ =	vpop (xrf0);
	[tilespmem:v21+s16+$0x0] =	vst.idx.msk vm0, v10;
	v10 =	vmov v18  }
0x19d: {  	s23 =	sadd.s32 $0x80, s23;
	s0 =	sadd.s32 $0xFFFFFF90, s25;
	vm1 =	vmmov vm6;
	v18 =	vsub.s32 v19, v38;
	v19, _, _ =	vpop (xrf0);
	[tilespmem:v21+s17+$0x0] =	vst.idx.msk vm0, v20;
	vm0 =	vmmov vm7  }
0x19e: {  	v20 =	vor.u32 s0, v0;
	s0 =	sadd.s32 $0xFFFFFFA0, s25;
	[tilespmem:v40+s16+$0x0] =	vst.idx.msk vm5, v12;
	v12 =	vld [tilespmem:s23+$0xFFFFFFC0];
	v18 =	vadd.s32 v29, v18;
	v19 =	vsub.s32 v19, v37;
	v21, _, _ =	vpop (xrf0)  }
0x19f: {  	v24 =	vor.u32 s0, v0;
	s0 =	sadd.s32 $0xFFFFFFB0, s25;
	v29 =	vld [tilespmem:s23+$0xFFFFFFD0];
	[tilespmem:v40+s17+$0x0] =	vst.idx.msk vm5, v20;
	v37 =	vadd.s32 v28, v19;
	v19 =	vsub.s32 v21, v34;
	v21, _, _ =	vpop (xrf0)  }
0x1a0: {  	v28 =	vld [tilespmem:s23+$0xFFFFFFE0];
	[tilespmem:v36+s16+$0x0] =	vst.idx.msk vm4, v16;
	v16 =	vor.u32 s0, v0;
	s0 =	sadd.s32 $0xFFFFFFC0, s25;
	v34 =	vadd.s32 v27, v19;
	v19 =	vsub.s32 v21, v33;
	v21, _, _ =	vpop (xrf0)  }
0x1a1: {  	v40 =	vld [tilespmem:s23+$0xFFFFFFF0];
	[tilespmem:v36+s17+$0x0] =	vst.idx.msk vm4, v24;
	v27 =	vor.u32 s0, v0;
	s0 =	sadd.s32 $0xFFFFFFD0, s25;
	v26 =	vadd.s32 v25, v19;
	v19 =	vsub.s32 v21, v32;
	v20, _, _ =	vpop (xrf0)  }
0x1a2: {  	v41 =	vld [tilespmem:s23+$0x0];
	v32 =	vor.u32 s0, v0;
	s0 =	sadd.s32 $0xFFFFFFE0, s25;
	v24 =	vadd.s32 v23, v19;
	v20 =	vsub.s32 v20, v31  }
0x1a3: {  	vm5 =	vle.f32 v12, v11;
	v19 =	vld [tilespmem:s23+$0x10];
	[tilespmem:v18+s16+$0x0] =	vst.idx.msk vm3, v13;
	v30 =	vor.u32 s0, v0;
	v21 =	vadd.s32 v22, v20  }
0x1a4: {  	v31 =	vsel vm5, $0x1, v1;
	v22 =	vmpcnt.ones.xlane vm5;
	vm4 =	vle.f32 v29, v11;
	v20 =	vld [tilespmem:s23+$0x20];
	[tilespmem:v18+s17+$0x0] =	vst.idx.msk vm3, v16;
	v16 =	vmovc v29  }
0x1a5: {  	v42 =	vsel vm4, $0x1, v1;
	v23 =	vmpcnt.ones.xlane vm4;
	vm3 =	vle.f32 v28, v11;
	v18 =	vld [tilespmem:s23+$0x30];
	(xrf0) =	vadd.scan.msk.s32 $0xffff, v31;
	v13 =	vmovc v28  }
0x1a6: {  	v36 =	vadd.s32 v35, v22;
	v22 =	vmpcnt.ones.xlane vm3;
	vm9 =	vle.f32 v40, v11;
	(xrf0) =	vadd.scan.msk.s32 $0xffff, v42  }
0x1a7: {  	v29 =	vadd.s32 v36, v23;
	v23 =	vmpcnt.ones.xlane vm9;
	vm10 =	vle.f32 v41, v11;
	[tilespmem:v37+s16+$0x0] =	vst.idx.msk vm12, v17  }
0x1a8: {  	v28 =	vadd.s32 v29, v22;
	v17 =	vmpcnt.ones.xlane vm10;
	vm8 =	vle.f32 v19, v11;
	[tilespmem:v37+s17+$0x0] =	vst.idx.msk vm12, v27  }
0x1a9: {  	v27 =	vadd.s32 v28, v23;
	v22 =	vmpcnt.ones.xlane vm8;
	vm6 =	vle.f32 v20, v11;
	[tilespmem:v34+s16+$0x0] =	vst.idx.msk vm11, v15  }
.Ltmp13:
0x1aa: {  	v25 =	vadd.s32 v27, v17;
	v33 =	vmpcnt.ones.xlane vm6;
	vm7 =	vle.f32 v18, v11;
	[tilespmem:v34+s17+$0x0] =	vst.idx.msk vm11, v32;
	(pc) =	sbr.rel @p0 .LBB2_16-.Ltmp13, $4  }
0x1ab: {  	v38 =	vsel vm3, $0x1, v1;
	v23 =	vadd.s32 v25, v22;
	v44 =	vmpcnt.ones.xlane vm7;
	v43, _, _ =	vpop (xrf0);
	[tilespmem:v26+s16+$0x0] =	vst.idx.msk vm2, v39  }
0x1ac: {  	v37 =	vsel vm9, $0x1, v1;
	v34 =	vsel vm10, $0x1, v1;
	v22 =	vadd.s32 v23, v33;
	v15, _, _ =	vpop (xrf0);
	(xrf0) =	vadd.scan.msk.s32 $0xffff, v38  }
0x1ad: {  	v32 =	vsel vm6, $0x1, v1;
	v33 =	vsel vm8, $0x1, v1;
	v17 =	vmovc v40;
	v35 =	vadd.s32 v22, v44;
	(xrf0) =	vadd.scan.msk.s32 $0xffff, v37  }
0x1ae: {  	v40 =	vsub.s32 v43, v31;
	v31 =	vsel vm7, $0x1, v1;
	v39 =	vsub.s32 v15, v42;
	v15 =	vmovc v41;
	(xrf0) =	vadd.scan.msk.s32 $0xffff, v34  }
0x1af: {  	(xrf0) =	vadd.scan.msk.s32 $0xffff, v33  }
0x1b0: {  	v11 =	vxor.u32 $0x80000000, v35;
	(xrf0) =	vadd.scan.msk.s32 $0xffff, v32  }
0x1b1: {  	(xrf0) =	vadd.scan.msk.s32 $0xffff, v31  }
0x1b2: {  	v58, _, _ =	vpop (xrf0);
	(xrf0) =	vmax.scan.msk.u32 $0xffff, v11  }
0x1b3: {  	v11, _, _ =	vpop (xrf0)  }
0x1b4: {  	v41, _, _ =	vpop (xrf0)  }
0x1b5: {  	v42, _, _ =	vpop (xrf0)  }
0x1b6: {  	v43, _, _ =	vpop (xrf0)  }
0x1b7: {  	v44, _, _ =	vpop (xrf0)  }
0x1b8: {  	v45, _, _ =	vpop (xrf0)  }
0x1b9: {  	(v2sf) =	vpush v45, $0xF;
	_ =	sdelay $0x2  }
0x1ba: {  	[tilespmem:v26+s17+$0x0] =	vst.idx.msk vm2, v30;
	v14 =	vadd.s32 v14, v40;
	s0 =	sadd.s32 $0xFFFFFFF0, s25  }
0x1bb: {  	[tilespmem:v24+s16+$0x0] =	vst.idx.msk vm1, v9;
	v9 =	vor.u32 s0, v0  }
0x1bc: {  	[tilespmem:v24+s17+$0x0] =	vst.idx.msk vm1, v9;
	v9 =	vadd.s32 v36, v39  }
0x1bd: {  	[tilespmem:v21+s16+$0x0] =	vst.idx.msk vm0, v10;
	v10 =	vor.u32 s25, v0;
	s0 =	sadd.s32 $0x80, s25;
	v59 =	vsub.s32 v58, v38  }
0x1be: {  	[tilespmem:v21+s17+$0x0] =	vst.idx.msk vm0, v10;
	s23 =	sadd.s32 $0xFFFFFF90, s0;
	v10 =	vadd.s32 v29, v59  }
0x1bf: {  	v60 =	vor.u32 s23, v0;
	[tilespmem:v14+s16+$0x0] =	vst.idx.msk vm5, v12;
	v11 =	vsub.s32 v11, v37  }
0x1c0: {  	s26 =	sadd.s32 $0xFFFFFFA0, s0;
	[tilespmem:v14+s17+$0x0] =	vst.idx.msk vm5, v60;
	v11 =	vadd.s32 v28, v11  }
0x1c1: {  	v61 =	vor.u32 s26, v0;
	v62 =	vsub.s32 v41, v34;
	[tilespmem:v9+s16+$0x0] =	vst.idx.msk vm4, v16  }
0x1c2: {  	s28 =	sadd.s32 $0xFFFFFFB0, s0;
	v14 =	vadd.s32 v27, v62;
	[tilespmem:v9+s17+$0x0] =	vst.idx.msk vm4, v61  }
0x1c3: {  	v63 =	vsub.s32 v42, v33;
	v9 =	vor.u32 s28, v0;
	[tilespmem:v10+s16+$0x0] =	vst.idx.msk vm3, v13  }
0x1c4: {  	s29 =	sadd.s32 $0xFFFFFFC0, s0;
	v12 =	vadd.s32 v25, v63;
	[tilespmem:v10+s17+$0x0] =	vst.idx.msk vm3, v9  }
0x1c5: {  	v9 =	vor.u32 s29, v0;
	v10 =	vsub.s32 v43, v32;
	[tilespmem:v11+s16+$0x0] =	vst.idx.msk vm9, v17  }
0x1c6: {  	s30 =	sadd.s32 $0xFFFFFFD0, s0;
	v10 =	vadd.s32 v23, v10;
	[tilespmem:v11+s17+$0x0] =	vst.idx.msk vm9, v9;
	s25 =	spop (v2sf)  }
0x1c7: {  	v9 =	vor.u32 s30, v0;
	v11 =	vsub.s32 v44, v31;
	[tilespmem:v14+s16+$0x0] =	vst.idx.msk vm10, v15;
	s31 =	sadd.s32 $0x8000000F, s25  }
0x1c8: {  	s26 =	sadd.s32 $0xFFFFFFE0, s0;
	s30 =	sadd.s32 $0xFFFFFFF0, s0;
	v11 =	vadd.s32 v22, v11;
	[tilespmem:v14+s17+$0x0] =	vst.idx.msk vm10, v9;
	s28 =	sand.u32 $0xF, s31  }
0x1c9: {  	v9 =	vor.u32 s26, v0;
	[tilespmem:v12+s16+$0x0] =	vst.idx.msk vm8, v19;
	s29 =	sshra.s32 s31, $0x1F;
	p0 =	slt.s32 s31, $0x1;
	p1 =	sne.s32 s28, $0x0  }
.Ltmp14:
0x1ca: {  	[tilespmem:v12+s17+$0x0] =	vst.idx.msk vm8, v9;
	s26 =	sshrl.u32 s29, $0x1C;
	p0 =	por !p0, !p1;
	(pc) =	sbr.rel .LBB2_18-.Ltmp14, $4  }
0x1cb: {  	v9 =	vor.u32 s30, v0;
	[tilespmem:v10+s16+$0x0] =	vst.idx.msk vm6, v20;
	s23 =	sadd.s32 s26, s31;
	s26 =	simm.s32 $0x1;
	p0 =	por !p0, !p0  }
0x1cc: {  	vm12 =	vmmov vm9;
	[tilespmem:v10+s17+$0x0] =	vst.idx.msk vm6, v9;
	s23 =	sshra.s32 s23, $0x4;
	s26 =	simm.s32 @!p0 $0x0  }
0x1cd: {  	vm13 =	vmmov vm10;
	vm14 =	vmmov vm8;
	v9 =	vor.u32 s0, v0;
	[tilespmem:v11+s16+$0x0] =	vst.idx.msk vm7, v18;
	s31 =	sxor.u32 $0x80000000, s25;
	s23 =	ssub.s32 s23, s26  }
0x1ce: {  	vm15 =	vmmov vm6;
	vm0 =	vmmov vm7;
	[tilespmem:v11+s17+$0x0] =	vst.idx.msk vm7, v9;
	s25 =	simm.s32 $0x0;
	v9 =	vmov s31;
	s26 =	simm.s32 $0x0;
	p0 =	slt.s32 s23, $0x1  }
.LBB2_19:
0x1cf: {  	v11 =	vimm.s32 $0xC0000000  }
.LBB2_23:
0x1d0: {  	(xrf0) =	vmin.scan.msk.f32 $0xffff, v10;
	_ =	sdelay $0x5  }
0x1d1: {  	v12, _, _ =	vpop (xrf0)  }
0x1d2: {  	v12 =	vbroadcast v12, $0xF;
	_ =	sdelay $0x1  }
0x1d3: {  	vm0 =	veq.f32 v10, v12  }
0x1d4: {  	v10 =	vnsel vm0, $0xC0000000, v11  }
0x1d5: {  	(xrf0) =	vmin.scan.msk.u32 $0xffff, v10;
	_ =	sdelay $0x5  }
0x1d6: {  	v10, _, _ =	vpop (xrf0)  }
0x1d7: {  	(v2sf) =	vpush v10, $0xF;
	_ =	sdelay $0xa  }
0x1d8: {  	v10 =	vand.u32 $0x3FFF, v10  }
0x1d9: {  	v10 =	vbroadcast v10, $0xF  }
0x1da: {  	v11 =	vmov s26;
	s26 =	sadd.s32 $0x1, s26  }
0x1db: {  	p1 =	sne.s32 s26, $0x20  }
.Ltmp15:
0x1dc: {  	s0 =	spop (v2sf);
	(pc) =	sbr.rel @!p1 .LBB2_24-.Ltmp15, $4  }
0x1dd: {  	s0 =	sshra.s32 s0, $0xE  }
0x1de: {  	s0 =	sxor.u32 $0xFFFE0000, s0  }
0x1df: {  	[tilespmem:v10+s16+$0x0] =	vst.idx.msk $0x1, v2;
	v10 =	vmov s0  }
0x1e0: {  	[tilespmem:v11+s18+$0x0] =	vst.idx.msk $0x1, v10  }
.LBB2_18:
.Ltmp16:
0x1e1: {  	(pc) =	sbr.rel @p0 .LBB2_19-.Ltmp16, $2  }
0x1e2: {  	_ =	sdelay $0x2  }
0x1e3: {  	v10 =	vimm.f32 $+Inf  }
0x1e4: {  	s0 =	simm.s32 $0xE080  }
0x1e5: {  	p1 =	sne.s32 s23, $0x1;
	v14 =	vld [tilespmem:s0+$0x0]  }
.Ltmp17:
0x1e6: {  	s28 =	simm.s32 $0xC000;
	(pc) =	sbr.rel @!p1 .LBB2_22-.Ltmp17, $2  }
0x1e7: {  	v12 =	vld [tilespmem:s28+$0x0];
	_ =	sdelay $0x2  }
0x1e8: {  	v11 =	vimm.s32 $0x40000000;
	s29 =	sadd.s32 $0xFFFFFFFF, s23;
	v13 =	vor.u32 s25, v0;
	s30 =	simm.s32 $0xE090;
	s0 =	simm.s32 $0x0;
	v14 =	vshll.u32 v14, $0xE  }
.LBB2_21:
0x1e9: {  	v15 =	vld [tilespmem:s30+$0x0];
	vm0 =	vlt.s32 v13, v9;
	v13 =	vadd.s32 v13, v14;
	p1 =	sne.s32 s29, $0x1  }
.Ltmp18:
0x1ea: {  	s28 =	sadd.s32 $0x10, s28;
	v14 =	vnsel vm0, $0x7F800000, v12;
	(pc) =	sbr.rel @p1 .LBB2_21-.Ltmp18, $4  }
0x1eb: {  	s29 =	sadd.s32 $0xFFFFFFFF, s29;
	v12 =	vld [tilespmem:s28+$0x0];
	vm0 =	vlt.f32 v14, v10  }
0x1ec: {  	v10 =	vsel vm0, v14, v10;
	v11 =	vsel vm0, v13, v11  }
0x1ed: {  	s0 =	sadd.s32 $0x10, s0  }
0x1ee: {  	s30 =	sadd.s32 $0x10, s30;
	v13 =	vor.u32 s0, v0;
	v14 =	vshll.u32 v15, $0xE  }
.LBB2_22:
.Ltmp19:
0x1ef: {  	vm0 =	vlt.s32 v13, v9;
	(pc) =	sbr.rel .LBB2_23-.Ltmp19, $4  }
0x1f0: {  	v12 =	vnsel vm0, $0x7F800000, v12  }
0x1f1: {  	v63 =	vadd.s32 v13, v14;
	vm0 =	vlt.f32 v12, v10  }
0x1f2: {  	v11 =	vsel vm0, v63, v11  }
0x1f3: {  	v10 =	vsel vm0, v12, v10;
	v11 =	vxor.u32 $0x80000000, v11  }
.LBB2_26:
0x1f4: {  	_ =	sfence.sel $0x180000  }
0x1f5: {  	[bflag:$0x0] =	sbarrier.arrive $0xFFFF  }
0x1f6: {  	_ =	strace $0x90000047  }
0x1f7: {  	[bflag:$0x2] =	sbarrier.arrive $0xFFFF  }
0x1f8: {  	p0 =	sne.s32 s1, $0x0;
	s0 =	rddreg [dreg:$0x2]  }
0x1f9: {  	s0 =	sadd.s32 @!p0 $0x100000, s0  }
0x1fa: {  	[sflag:s0] =	ssyncadd.tile.s32 @!p0 $0x1;
	_ =	shalt  }
.Lfunc_end2:
_tile_overlayer_lowered:
.L_overlay_start_2:
0x1fb: {  	(tag) =	ssettag $0x2  }
0x1fc: {  	s0 =	rddreg [dreg:$0x0];
	s2 =	stileid.u32  }
0x1fd: {  	s1 =	rddreg [dreg:$0x1];
	p0 =	sne.s32 s2, $0x0  }
0x1fe: {  	s3 =	rddreg [dreg:$0x2];
	[bflag:$0x3] =	sbarrier.arrive $0xFFFF;
	s2 =	simm.s32 @!p0 $0x1C03  }
0x1ff: {  	[timem:s3], [sflag:s2] =	dma.local @!p0 [hbm:s0], s1  }
0x200: {  	s0 =	simm.s32 @!p0 $0x3  }
0x201: {  	_ =	swait.ge @!p0 [sflag:s0], s1  }
0x202: {  	s1 =	ssub.s32 @!p0 $0x0, s1;
	[sflag:s0] =	ssyncset.done @!p0 $0x0  }
0x203: {  	[sflag:s0] =	ssyncadd.s32 @!p0 s1  }
0x204: {  	[bflag:$0x3] =	sbarrier.arrive $0xFFFF  }
0x205: {  	_ =	shalt  }

</sc_bundles>
